<compile_context>
chip_gen: v7x
topology: tpu7x:2x2x1
jax: 0.10.2.dev20260603
libtpu: 0.0.44.dev20260713+nightly
codegen_flags: <defaults>
</compile_context>

<pallas_src>
import jax
import jax.numpy as jnp
from jax import lax
from jax.experimental import pallas as pl
from jax.experimental.pallas import tpu as pltpu
from jax.experimental.pallas import tpu_sc as plsc

_M = 128
_N = 32768
_K = int(0.5 * (_N - 1))
_NC = 2
_NS = 16
_NW = _NC * _NS
_RS = 32
_RPW = _RS // _NW
_TB = 32
_L = 16
_CHUNKS = _N // _L
_U = 8
_INT_MIN = -2147483648
_NEG_INF = float("-inf")


def _splat(v, dtype=jnp.int32):
    return jnp.full((_L,), v, dtype)


def _tree_reduce(red_v, v, neutral, op, dtype=jnp.float32):
    red_v[pl.ds(_L, _L)] = _splat(neutral, dtype)
    red_v[pl.ds(0, _L)] = v
    a = op(v, red_v[pl.ds(8, _L)])
    red_v[pl.ds(0, _L)] = a
    a = op(a, red_v[pl.ds(4, _L)])
    red_v[pl.ds(0, _L)] = a
    a = op(a, red_v[pl.ds(2, _L)])
    red_v[pl.ds(0, _L)] = a
    a = op(a, red_v[pl.ds(1, _L)])
    return a[0]


def _to_key(ib):
    return ib ^ ((ib >> 31) & 0x7FFFFFFF)


def _sc_body(inputs_hbm, targets_hbm, out_hbm, row_v, keys_v, tgt_v, out_v,
             red_v, redi_v):
    wid = lax.axis_index("s") * _NC + lax.axis_index("c")
    pltpu.sync_copy(targets_hbm, tgt_v)
    iota = lax.iota(jnp.int32, _L)
    zeros_f = jnp.zeros((_L,), jnp.float32)
    ones_f = jnp.full((_L,), 1.0, jnp.float32)
    acc = zeros_f
    fmax = lambda a, b: jnp.maximum(a, b)
    fadd = lambda a, b: a + b

    tgt_base = pl.multiple_of((wid * _RPW // _L) * _L, _L)
    tgt_blk = tgt_v[pl.ds(tgt_base, _L)].astype(jnp.float32)

    for j in range(_RPW):
        r = wid * _RPW + j
        pltpu.sync_copy(inputs_hbm.at[r], row_v)
        tgt_s = _tree_reduce(
            red_v,
            jnp.where(iota == _splat(r % _L), tgt_blk, _splat(-1.0, jnp.float32)),
            _NEG_INF, fmax).astype(jnp.int32)

        pos_base = pl.multiple_of((tgt_s // _L) * _L, _L)
        pos_blk = row_v[pl.ds(pos_base, _L)]
        pos_s = _tree_reduce(
            red_v,
            jnp.where(iota == _splat(tgt_s % _L), pos_blk,
                      _splat(_NEG_INF, jnp.float32)),
            _NEG_INF, fmax)
        pos_v = _splat(pos_s, jnp.float32)
        pos_key = _tree_reduce(
            redi_v,
            jnp.where(iota == _splat(tgt_s % _L),
                      _to_key(lax.bitcast_convert_type(pos_blk, jnp.int32)),
                      _splat(_INT_MIN)),
            _INT_MIN, fmax, jnp.int32)

        def build_body(c, carry):
            ma, mb, c0a, c0b = carry
            for u in range(0, _U, 2):
                base = c * (_U * _L) + u * _L
                xa = row_v[pl.ds(base, _L)]
                xb = row_v[pl.ds(base + _L, _L)]
                ka = _to_key(lax.bitcast_convert_type(xa, jnp.int32))
                kb = _to_key(lax.bitcast_convert_type(xb, jnp.int32))
                keys_v[pl.ds(base, _L)] = ka
                keys_v[pl.ds(base + _L, _L)] = kb
                ma = jnp.maximum(ma, xa)
                mb = jnp.maximum(mb, xb)
                c0a = c0a + jnp.where(ka >= _splat(0), ones_f, zeros_f)
                c0b = c0b + jnp.where(kb >= _splat(0), ones_f, zeros_f)
            return ma, mb, c0a, c0b

        ninf = _splat(_NEG_INF, jnp.float32)
        ma, mb, c0a, c0b = lax.fori_loop(
            0, _CHUNKS // _U, build_body, (ninf, ninf, zeros_f, zeros_f))
        maxacc = jnp.maximum(ma, mb)
        cnt0 = c0a + c0b
        mx_s = _tree_reduce(red_v, maxacc, _NEG_INF, fmax)
        mx_v = _splat(mx_s, jnp.float32)
        cnt0_s = (_tree_reduce(red_v, cnt0, 0.0, fadd)
                  - jnp.where(pos_key >= 0, 1.0, 0.0))
        acc0 = cnt0_s >= float(_K)
        p_init = jnp.where(acc0, jnp.int32(0), jnp.int32(_INT_MIN))
        c_init = jnp.where(acc0, cnt0_s, float(_N - 1))

        def search_body(i, carry):
            p, cntp = carry
            cand = p | (jnp.int32(1) << (31 - i))
            cand_v = _splat(cand)

            def cnt_body(c, carry):
                ca, cb, cc, cd = carry
                for u in range(0, _U, 4):
                    base = c * (_U * _L) + u * _L
                    ka = keys_v[pl.ds(base, _L)]
                    kb = keys_v[pl.ds(base + _L, _L)]
                    kc = keys_v[pl.ds(base + 2 * _L, _L)]
                    kd = keys_v[pl.ds(base + 3 * _L, _L)]
                    ca = ca + jnp.where(ka >= cand_v, ones_f, zeros_f)
                    cb = cb + jnp.where(kb >= cand_v, ones_f, zeros_f)
                    cc = cc + jnp.where(kc >= cand_v, ones_f, zeros_f)
                    cd = cd + jnp.where(kd >= cand_v, ones_f, zeros_f)
                return ca, cb, cc, cd

            ca, cb, cc, cd = lax.fori_loop(
                0, _CHUNKS // _U, cnt_body,
                (zeros_f, zeros_f, zeros_f, zeros_f))
            cnt = _tree_reduce(red_v, (ca + cb) + (cc + cd), 0.0, fadd)
            cnt = cnt - jnp.where(pos_key >= cand, 1.0, 0.0)
            ok = cnt >= float(_K)
            return (jnp.where(ok, cand, p), jnp.where(ok, cnt, cntp))

        kth, cnt_ge = lax.fori_loop(1, 32, search_body, (p_init, c_init))
        kth_v = _splat(kth)

        thr_v = lax.bitcast_convert_type(_to_key(kth_v), jnp.float32)

        def sum_body(c, carry):
            sa, sb = carry
            for u in range(0, _U, 2):
                base = c * (_U * _L) + u * _L
                xa = row_v[pl.ds(base, _L)]
                xb = row_v[pl.ds(base + _L, _L)]
                ea = jnp.exp((xa - mx_v) * 10.0)
                eb = jnp.exp((xb - mx_v) * 10.0)
                sa = sa + jnp.where(xa >= thr_v, ea, zeros_f)
                sb = sb + jnp.where(xb >= thr_v, eb, zeros_f)
            return sa, sb

        sa, sb = lax.fori_loop(0, _CHUNKS // _U, sum_body, (zeros_f, zeros_f))
        s_all = _tree_reduce(red_v, sa + sb, 0.0, fadd)

        e_pos_v = jnp.exp((pos_v - mx_v) * 10.0)
        e_thr_v = jnp.exp((thr_v - mx_v) * 10.0)
        pos_ge_v = _splat(jnp.where(pos_key >= kth, 1.0, 0.0), jnp.float32)
        total_v = (_splat(s_all, jnp.float32) - pos_ge_v * e_pos_v
                   + (float(_K) - _splat(cnt_ge, jnp.float32))
                   * e_thr_v + e_pos_v)

        acc = jnp.where(iota == _splat(j), total_v, acc)
        acc = jnp.where(iota == _splat(_RPW + j), mx_v, acc)
        acc = jnp.where(iota == _splat(2 * _RPW + j), pos_v, acc)

    out_v[...] = acc
    pltpu.sync_copy(out_v, out_hbm.at[wid])


def _sc_stage(inputs, targets):
    mesh = plsc.VectorSubcoreMesh(core_axis_name="c", subcore_axis_name="s",
                                  num_cores=_NC)
    return pl.kernel(
        _sc_body,
        out_type=jax.ShapeDtypeStruct((_NW, _L), jnp.float32),
        mesh=mesh,
        scratch_types=[
            pltpu.VMEM((_N,), jnp.float32),
            pltpu.VMEM((_N,), jnp.int32),
            pltpu.VMEM((_M,), jnp.int32),
            pltpu.VMEM((_L,), jnp.float32),
            pltpu.VMEM((2 * _L,), jnp.float32),
            pltpu.VMEM((2 * _L,), jnp.int32),
        ],
    )(inputs, targets)


def _tc_body(x_ref, t_ref, o_ref, keys_ref):
    x = x_ref[...]
    tgt = t_ref[...]
    col = lax.broadcasted_iota(jnp.int32, (_TB, _N), 1)
    ispos = col == tgt
    keys_ref[...] = jnp.where(
        ispos, _INT_MIN, _to_key(lax.bitcast_convert_type(x, jnp.int32)))
    mx = jnp.max(x, axis=1, keepdims=True)
    pos = jnp.sum(jnp.where(ispos, x, 0.0), axis=1, keepdims=True)

    def search_body(i, p):
        cand = jnp.where(i == 0, jnp.zeros_like(p),
                         p | (jnp.int32(1) << (31 - i)))
        cnt = jnp.sum((keys_ref[...] >= cand).astype(jnp.float32),
                      axis=1, keepdims=True)
        return jnp.where(cnt >= float(_K), cand, p)

    kth = lax.fori_loop(
        0, 32, search_body, jnp.full((_TB, 1), _INT_MIN, jnp.int32))

    keys = keys_ref[...]
    gt = keys > kth
    e = jnp.exp((x - mx) * 10.0)
    s_gt = jnp.sum(jnp.where(gt, e, 0.0), axis=1, keepdims=True)
    cnt_gt = jnp.sum(gt.astype(jnp.float32), axis=1, keepdims=True)
    thr = lax.bitcast_convert_type(_to_key(kth), jnp.float32)
    e_thr = jnp.exp((thr - mx) * 10.0)
    e_pos = jnp.exp((pos - mx) * 10.0)
    total = s_gt + (float(_K) - cnt_gt) * e_thr + e_pos
    o_ref[...] = jnp.log(total) + 10.0 * (mx - pos)


def _tc_stage(inputs, targets_2d):
    nblk = (_M - _RS) // _TB
    return pl.pallas_call(
        _tc_body,
        grid=(nblk,),
        in_specs=[
            pl.BlockSpec((_TB, _N), lambda i: (i + _RS // _TB, 0)),
            pl.BlockSpec((_TB, 1), lambda i: (i + _RS // _TB, 0)),
        ],
        out_specs=pl.BlockSpec((_TB, 1), lambda i: (i, 0)),
        out_shape=jax.ShapeDtypeStruct((_M - _RS, 1), jnp.float32),
        scratch_shapes=[pltpu.VMEM((_TB, _N), jnp.int32)],
    )(inputs, targets_2d)


def _finish_body(sc_ref, tc_ref, o_ref):
    sc = sc_ref[...]
    s = sc[:, 0:_RPW]
    mx = sc[:, _RPW:2 * _RPW]
    pos = sc[:, 2 * _RPW:3 * _RPW]
    sc_loss = jnp.log(s) + 10.0 * (mx - pos)
    o_ref[0] = (jnp.sum(sc_loss) + jnp.sum(tc_ref[...])) * (1.0 / _M)


def _finish(sc_out, tc_out):
    return pl.pallas_call(
        _finish_body,
        out_shape=jax.ShapeDtypeStruct((1,), jnp.float32),
        out_specs=pl.BlockSpec(memory_space=pltpu.SMEM),
    )(sc_out, tc_out)


@jax.jit
def _run(inputs, targets):
    t32 = targets.astype(jnp.int32)
    sc_out = _sc_stage(inputs, t32)
    tc_out = _tc_stage(inputs, t32.reshape(_M, 1))
    return _finish(sc_out, tc_out)[0]


def kernel(inputs, targets):
    return _run(inputs, targets)

# --- scband reference (transcript-rebuilt; emitter-appended) ---
"""Pipeline reference for scband-mmcl-83683142795432 (READ-ONLY COPY).

The authoritative reference and input builder live on the scoring server;
editing this copy changes nothing except your own understanding.
"""

import jax, jax.numpy as jnp
import numpy as np

DELTA = 1.0
R = 0.5

def setup_inputs(seed: int = 0) -> dict:
    key = jax.random.key(seed)
    k1, k2 = jax.random.split(key)
    inputs = jax.random.normal(k1, (128, 32768), dtype=jnp.float32)
    targets = jax.random.randint(k2, (128,), 0, 32768, dtype=jnp.int64 if jax.config.jax_enable_x64 else jnp.int32)
    return {"inputs": inputs, "targets": targets}

def reference(inputs, targets):
    m, n = inputs.shape
    # multilabels: one positive per row (scatter of target index)
    num = int(R * (n - 1))  # number of hard negatives kept per row
    # positive logit per row (num_pos == 1 since targets are class indices)
    pos = jnp.take_along_axis(inputs, targets[:, None].astype(jnp.int32), axis=1)  # [m, 1]
    # negatives: mask out the positive position, then top-k (= sorted-descending prefix).
    # cross_entropy is permutation-invariant over the negative slots, so top_k order
    # is equivalent to torch's masked_select-after-sorted-index-mask.
    onehot = jax.nn.one_hot(targets, n, dtype=jnp.bool_)
    neg_masked = jnp.where(onehot, -jnp.inf, inputs)
    hard_neg, _ = jax.lax.top_k(neg_masked, num)  # [m, num]
    results = jnp.concatenate([pos, hard_neg], axis=1)  # [m, 1 + num]
    logits = 10.0 * results
    # F.cross_entropy with label 0 per row: logsumexp(logits) - logits[:, 0]
    losses = jax.nn.logsumexp(logits, axis=1) - logits[:, 0]
    return jnp.mean(losses)

if __name__ == "__main__":
    import jax
    _d = setup_inputs()
    print(jax.jit(kernel)(*tuple(_d.values())))

</pallas_src>

<mosaic_0001>
#map = affine_map<(d0, d1) -> (0, 0)>
#map1 = affine_map<(d0, d1) -> (0)>
module attributes {stable_mosaic.version = 14 : i64} {
  func.func @_sc_body(%arg0: i32, %arg1: i32, %arg2: memref<128x32768xf32, #tpu.memory_space<hbm>>, %arg3: memref<128xi32, #tpu.memory_space<hbm>>, %arg4: memref<32x16xf32, #tpu.memory_space<hbm>>, %arg5: memref<32768xf32, #tpu.memory_space<vmem>>, %arg6: memref<32768xi32, #tpu.memory_space<vmem>>, %arg7: memref<128xi32, #tpu.memory_space<vmem>>, %arg8: memref<16xf32, #tpu.memory_space<vmem>>, %arg9: memref<32xf32, #tpu.memory_space<vmem>>, %arg10: memref<32xi32, #tpu.memory_space<vmem>>) attributes {dimension_semantics = [#tpu.dimension_semantics<core_parallel>, #tpu.dimension_semantics<subcore_parallel>], iteration_bounds = array<i64: 2, 16>, scalar_prefetch = 0 : i64, scratch_operands = 6 : i64, tpu.core_type = #tpu.core_type<sc_vector_subcore>, window_params = [{transform_indices = #map}, {transform_indices = #map1}, {transform_indices = #map}]} {
    %mul3A = arith.constant 2 : i32
    %mul3A_0 = arith.muli %arg1, %mul3A : i32
    %add3A = arith.addi %mul3A_0, %arg0 : i32
    "tpu.region"() ({
      %run_scoped3A = tpu.sem_alloc : memref<!tpu.dma_semaphore, #tpu.memory_space<semaphore_mem>>
      tpu.enqueue_dma source(%arg3 : memref<128xi32, #tpu.memory_space<hbm>>) target(%arg7 : memref<128xi32, #tpu.memory_space<vmem>>) target_semaphore(%run_scoped3A : memref<!tpu.dma_semaphore, #tpu.memory_space<semaphore_mem>>)
      tpu.wait_dma2 semaphore(%run_scoped3A : memref<!tpu.dma_semaphore, #tpu.memory_space<semaphore_mem>>) src(%arg3 : memref<128xi32, #tpu.memory_space<hbm>>) dst(%arg7 : memref<128xi32, #tpu.memory_space<vmem>>)
      tpu.yield
    }) : () -> ()
    %iota3A = tpu.iota {dimensions = array<i32: 0>} : vector<16xi32>
    %broadcast_in_dim3A = arith.constant 0.000000e+00 : f32
    %broadcast_in_dim3A_1 = vector.broadcast %broadcast_in_dim3A : f32 to vector<16xf32>
    %broadcast_in_dim3A_2 = arith.constant 1.000000e+00 : f32
    %broadcast_in_dim3A_3 = vector.broadcast %broadcast_in_dim3A_2 : f32 to vector<16xf32>
    %mul3A_4 = arith.constant 1 : i32
    %mul3A_5 = arith.muli %add3A, %mul3A_4 : i32
    %jit3A = arith.constant 16 : i32
    %div3A = arith.divsi %mul3A_5, %jit3A : i32
    %sign3A = arith.constant 0 : i32
    %sign3A_6 = arith.cmpi sgt, %mul3A_5, %sign3A : i32
    %sign3A_7 = arith.extui %sign3A_6 : i1 to i32
    %sign3A_8 = arith.constant 0 : i32
    %sign3A_9 = arith.cmpi slt, %mul3A_5, %sign3A_8 : i32
    %sign3A_10 = arith.extui %sign3A_9 : i1 to i32
    %sign3A_11 = arith.subi %sign3A_7, %sign3A_10 : i32
    %sign3A_12 = arith.constant 0 : i32
    %sign3A_13 = arith.cmpi sgt, %jit3A, %sign3A_12 : i32
    %sign3A_14 = arith.extui %sign3A_13 : i1 to i32
    %sign3A_15 = arith.constant 0 : i32
    %sign3A_16 = arith.cmpi slt, %jit3A, %sign3A_15 : i32
    %sign3A_17 = arith.extui %sign3A_16 : i1 to i32
    %sign3A_18 = arith.subi %sign3A_14, %sign3A_17 : i32
    %ne3A = arith.cmpi ne, %sign3A_11, %sign3A_18 : i32
    %rem3A = arith.remsi %mul3A_5, %jit3A : i32
    %ne3A_19 = arith.constant 0 : i32
    %ne3A_20 = arith.cmpi ne, %rem3A, %ne3A_19 : i32
    %and3A = arith.andi %ne3A, %ne3A_20 : i1
    %sub3A = arith.constant 1 : i32
    %sub3A_21 = arith.subi %div3A, %sub3A : i32
    %select_n3A = arith.select %and3A, %sub3A_21, %div3A : i32
    %mul3A_22 = arith.constant 16 : i32
    %mul3A_23 = arith.muli %select_n3A, %mul3A_22 : i32
    %multiple_of3A = tpu.assume_multiple %mul3A_23, 16 : i32
    %get3A = arith.index_cast %multiple_of3A : i32 to index
    %get3A_24 = tpu.vector_load %arg7[%get3A] {strides = array<i32>} : memref<128xi32, #tpu.memory_space<vmem>>, vector<16xi32>,
    %get3A_25 = vector.shape_cast %get3A_24 : vector<16xi32> to vector<16xi32>
    %convert_element_type3A = arith.sitofp %get3A_25 : vector<16xi32> to vector<16xf32>
    %mul3A_26 = arith.constant 1 : i32
    %mul3A_27 = arith.muli %add3A, %mul3A_26 : i32
    %add3A_28 = arith.constant 0 : i32
    %add3A_29 = arith.addi %mul3A_27, %add3A_28 : i32
    "tpu.region"() ({
      %run_scoped3A = tpu.sem_alloc : memref<!tpu.dma_semaphore, #tpu.memory_space<semaphore_mem>>
      %dma_start3A = arith.constant 0 : i32
      %dma_start3A_448 = tpu.memref_slice %arg2[%add3A_29, %dma_start3A] : memref<128x32768xf32, #tpu.memory_space<hbm>> -> memref<1x32768xf32, #tpu.memory_space<hbm>>
      %dma_start3A_449 = tpu.memref_squeeze %dma_start3A_448 : memref<1x32768xf32, #tpu.memory_space<hbm>> -> memref<32768xf32, #tpu.memory_space<hbm>>
      %dma_start3A_450 = arith.constant 0 : i32
      %dma_start3A_451 = tpu.memref_slice %arg2[%add3A_29, %dma_start3A_450] : memref<128x32768xf32, #tpu.memory_space<hbm>> -> memref<1x32768xf32, #tpu.memory_space<hbm>>
      %dma_start3A_452 = tpu.memref_squeeze %dma_start3A_451 : memref<1x32768xf32, #tpu.memory_space<hbm>> -> memref<32768xf32, #tpu.memory_space<hbm>>
      tpu.enqueue_dma source(%dma_start3A_452 : memref<32768xf32, #tpu.memory_space<hbm>>) target(%arg5 : memref<32768xf32, #tpu.memory_space<vmem>>) target_semaphore(%run_scoped3A : memref<!tpu.dma_semaphore, #tpu.memory_space<semaphore_mem>>)
      %dma_wait3A = arith.constant 0 : i32
      %dma_wait3A_453 = tpu.memref_slice %arg2[%add3A_29, %dma_wait3A] : memref<128x32768xf32, #tpu.memory_space<hbm>> -> memref<1x32768xf32, #tpu.memory_space<hbm>>
      %dma_wait3A_454 = tpu.memref_squeeze %dma_wait3A_453 : memref<1x32768xf32, #tpu.memory_space<hbm>> -> memref<32768xf32, #tpu.memory_space<hbm>>
      %dma_wait3A_455 = arith.constant 0 : i32
      %dma_wait3A_456 = tpu.memref_slice %arg2[%add3A_29, %dma_wait3A_455] : memref<128x32768xf32, #tpu.memory_space<hbm>> -> memref<1x32768xf32, #tpu.memory_space<hbm>>
      %dma_wait3A_457 = tpu.memref_squeeze %dma_wait3A_456 : memref<1x32768xf32, #tpu.memory_space<hbm>> -> memref<32768xf32, #tpu.memory_space<hbm>>
      tpu.wait_dma2 semaphore(%run_scoped3A : memref<!tpu.dma_semaphore, #tpu.memory_space<semaphore_mem>>) src(%dma_wait3A_457 : memref<32768xf32, #tpu.memory_space<hbm>>) dst(%arg5 : memref<32768xf32, #tpu.memory_space<vmem>>)
      tpu.yield
    }) : () -> ()
    %jit3A_30 = arith.constant 16 : i32
    %eq3A = arith.constant 0 : i32
    %eq3A_31 = arith.cmpi eq, %jit3A_30, %eq3A : i32
    %jit3A_32 = arith.constant 1 : i32
    %select_n3A_33 = arith.select %eq3A_31, %jit3A_32, %jit3A_30 : i32
    %rem3A_34 = arith.remsi %add3A_29, %select_n3A_33 : i32
    %ne3A_35 = arith.constant 0 : i32
    %ne3A_36 = arith.cmpi ne, %rem3A_34, %ne3A_35 : i32
    %lt3A = arith.constant 0 : i32
    %lt3A_37 = arith.cmpi slt, %rem3A_34, %lt3A : i32
    %lt3A_38 = arith.constant 0 : i32
    %lt3A_39 = arith.cmpi slt, %select_n3A_33, %lt3A_38 : i32
    %ne3A_40 = arith.xori %lt3A_37, %lt3A_39 : i1
    %and3A_41 = arith.andi %ne3A_40, %ne3A_36 : i1
    %add3A_42 = arith.addi %rem3A_34, %select_n3A_33 : i32
    %select_n3A_43 = arith.select %and3A_41, %add3A_42, %rem3A_34 : i32
    %broadcast_in_dim3A_44 = vector.broadcast %select_n3A_43 : i32 to vector<16xi32>
    %eq3A_45 = arith.cmpi eq, %iota3A, %broadcast_in_dim3A_44 : vector<16xi32>
    %broadcast_in_dim3A_46 = arith.constant -1.000000e+00 : f32
    %broadcast_in_dim3A_47 = vector.broadcast %broadcast_in_dim3A_46 : f32 to vector<16xf32>
    %select_n3A_48 = arith.select %eq3A_45, %convert_element_type3A, %broadcast_in_dim3A_47 : vector<16xi1>, vector<16xf32>
    %broadcast_in_dim3A_49 = arith.constant 0xFF800000 : f32
    %broadcast_in_dim3A_50 = vector.broadcast %broadcast_in_dim3A_49 : f32 to vector<16xf32>
    %swap3A = arith.constant 16 : index
    %swap3A_51 = tpu.vector_load %arg9[%swap3A] {strides = array<i32>} : memref<32xf32, #tpu.memory_space<vmem>>, vector<16xf32>,
    %swap3A_52 = vector.shape_cast %swap3A_51 : vector<16xf32> to vector<16xf32>
    %swap3A_53 = vector.shape_cast %broadcast_in_dim3A_50 : vector<16xf32> to vector<16xf32>
    tpu.vector_store %arg9[%swap3A], %swap3A_53 {strides = array<i32>} : memref<32xf32, #tpu.memory_space<vmem>>, vector<16xf32>,
    %swap3A_54 = arith.constant 0 : index
    %swap3A_55 = tpu.vector_load %arg9[%swap3A_54] {strides = array<i32>} : memref<32xf32, #tpu.memory_space<vmem>>, vector<16xf32>,
    %swap3A_56 = vector.shape_cast %swap3A_55 : vector<16xf32> to vector<16xf32>
    %swap3A_57 = vector.shape_cast %select_n3A_48 : vector<16xf32> to vector<16xf32>
    tpu.vector_store %arg9[%swap3A_54], %swap3A_57 {strides = array<i32>} : memref<32xf32, #tpu.memory_space<vmem>>, vector<16xf32>,
    %get3A_58 = arith.constant 8 : index
    %get3A_59 = tpu.vector_load %arg9[%get3A_58] {strides = array<i32>} : memref<32xf32, #tpu.memory_space<vmem>>, vector<16xf32>,
    %get3A_60 = vector.shape_cast %get3A_59 : vector<16xf32> to vector<16xf32>
    %max3A = arith.maximumf %select_n3A_48, %get3A_60 : vector<16xf32>
    %swap3A_61 = arith.constant 0 : index
    %swap3A_62 = tpu.vector_load %arg9[%swap3A_61] {strides = array<i32>} : memref<32xf32, #tpu.memory_space<vmem>>, vector<16xf32>,
    %swap3A_63 = vector.shape_cast %swap3A_62 : vector<16xf32> to vector<16xf32>
    %swap3A_64 = vector.shape_cast %max3A : vector<16xf32> to vector<16xf32>
    tpu.vector_store %arg9[%swap3A_61], %swap3A_64 {strides = array<i32>} : memref<32xf32, #tpu.memory_space<vmem>>, vector<16xf32>,
    %get3A_65 = arith.constant 4 : index
    %get3A_66 = tpu.vector_load %arg9[%get3A_65] {strides = array<i32>} : memref<32xf32, #tpu.memory_space<vmem>>, vector<16xf32>,
    %get3A_67 = vector.shape_cast %get3A_66 : vector<16xf32> to vector<16xf32>
    %max3A_68 = arith.maximumf %max3A, %get3A_67 : vector<16xf32>
    %swap3A_69 = arith.constant 0 : index
    %swap3A_70 = tpu.vector_load %arg9[%swap3A_69] {strides = array<i32>} : memref<32xf32, #tpu.memory_space<vmem>>, vector<16xf32>,
    %swap3A_71 = vector.shape_cast %swap3A_70 : vector<16xf32> to vector<16xf32>
    %swap3A_72 = vector.shape_cast %max3A_68 : vector<16xf32> to vector<16xf32>
    tpu.vector_store %arg9[%swap3A_69], %swap3A_72 {strides = array<i32>} : memref<32xf32, #tpu.memory_space<vmem>>, vector<16xf32>,
    %get3A_73 = arith.constant 2 : index
    %get3A_74 = tpu.vector_load %arg9[%get3A_73] {strides = array<i32>} : memref<32xf32, #tpu.memory_space<vmem>>, vector<16xf32>,
    %get3A_75 = vector.shape_cast %get3A_74 : vector<16xf32> to vector<16xf32>
    %max3A_76 = arith.maximumf %max3A_68, %get3A_75 : vector<16xf32>
    %swap3A_77 = arith.constant 0 : index
    %swap3A_78 = tpu.vector_load %arg9[%swap3A_77] {strides = array<i32>} : memref<32xf32, #tpu.memory_space<vmem>>, vector<16xf32>,
    %swap3A_79 = vector.shape_cast %swap3A_78 : vector<16xf32> to vector<16xf32>
    %swap3A_80 = vector.shape_cast %max3A_76 : vector<16xf32> to vector<16xf32>
    tpu.vector_store %arg9[%swap3A_77], %swap3A_80 {strides = array<i32>} : memref<32xf32, #tpu.memory_space<vmem>>, vector<16xf32>,
    %get3A_81 = arith.constant 1 : index
    %get3A_82 = tpu.vector_load %arg9[%get3A_81] {strides = array<i32>} : memref<32xf32, #tpu.memory_space<vmem>>, vector<16xf32>,
    %get3A_83 = vector.shape_cast %get3A_82 : vector<16xf32> to vector<16xf32>
    %max3A_84 = arith.maximumf %max3A_76, %get3A_83 : vector<16xf32>
    %slice3A = vector.extract_strided_slice %max3A_84 {offsets = [0], sizes = [1], strides = [1]} : vector<16xf32> to vector<1xf32>
    %squeeze3A = vector.extract %slice3A[0] : f32 from vector<1xf32>
    %convert_element_type3A_85 = arith.fptosi %squeeze3A : f32 to i32
    %jit3A_86 = arith.constant 16 : i32
    %div3A_87 = arith.divsi %convert_element_type3A_85, %jit3A_86 : i32
    %sign3A_88 = arith.constant 0 : i32
    %sign3A_89 = arith.cmpi sgt, %convert_element_type3A_85, %sign3A_88 : i32
    %sign3A_90 = arith.extui %sign3A_89 : i1 to i32
    %sign3A_91 = arith.constant 0 : i32
    %sign3A_92 = arith.cmpi slt, %convert_element_type3A_85, %sign3A_91 : i32
    %sign3A_93 = arith.extui %sign3A_92 : i1 to i32
    %sign3A_94 = arith.subi %sign3A_90, %sign3A_93 : i32
    %sign3A_95 = arith.constant 0 : i32
    %sign3A_96 = arith.cmpi sgt, %jit3A_86, %sign3A_95 : i32
    %sign3A_97 = arith.extui %sign3A_96 : i1 to i32
    %sign3A_98 = arith.constant 0 : i32
    %sign3A_99 = arith.cmpi slt, %jit3A_86, %sign3A_98 : i32
    %sign3A_100 = arith.extui %sign3A_99 : i1 to i32
    %sign3A_101 = arith.subi %sign3A_97, %sign3A_100 : i32
    %ne3A_102 = arith.cmpi ne, %sign3A_94, %sign3A_101 : i32
    %rem3A_103 = arith.remsi %convert_element_type3A_85, %jit3A_86 : i32
    %ne3A_104 = arith.constant 0 : i32
    %ne3A_105 = arith.cmpi ne, %rem3A_103, %ne3A_104 : i32
    %and3A_106 = arith.andi %ne3A_102, %ne3A_105 : i1
    %sub3A_107 = arith.constant 1 : i32
    %sub3A_108 = arith.subi %div3A_87, %sub3A_107 : i32
    %select_n3A_109 = arith.select %and3A_106, %sub3A_108, %div3A_87 : i32
    %mul3A_110 = arith.constant 16 : i32
    %mul3A_111 = arith.muli %select_n3A_109, %mul3A_110 : i32
    %multiple_of3A_112 = tpu.assume_multiple %mul3A_111, 16 : i32
    %get3A_113 = arith.index_cast %multiple_of3A_112 : i32 to index
    %get3A_114 = tpu.vector_load %arg5[%get3A_113] {strides = array<i32>} : memref<32768xf32, #tpu.memory_space<vmem>>, vector<16xf32>,
    %get3A_115 = vector.shape_cast %get3A_114 : vector<16xf32> to vector<16xf32>
    %jit3A_116 = arith.constant 16 : i32
    %eq3A_117 = arith.constant 0 : i32
    %eq3A_118 = arith.cmpi eq, %jit3A_116, %eq3A_117 : i32
    %jit3A_119 = arith.constant 1 : i32
    %select_n3A_120 = arith.select %eq3A_118, %jit3A_119, %jit3A_116 : i32
    %rem3A_121 = arith.remsi %convert_element_type3A_85, %select_n3A_120 : i32
    %ne3A_122 = arith.constant 0 : i32
    %ne3A_123 = arith.cmpi ne, %rem3A_121, %ne3A_122 : i32
    %lt3A_124 = arith.constant 0 : i32
    %lt3A_125 = arith.cmpi slt, %rem3A_121, %lt3A_124 : i32
    %lt3A_126 = arith.constant 0 : i32
    %lt3A_127 = arith.cmpi slt, %select_n3A_120, %lt3A_126 : i32
    %ne3A_128 = arith.xori %lt3A_125, %lt3A_127 : i1
    %and3A_129 = arith.andi %ne3A_128, %ne3A_123 : i1
    %add3A_130 = arith.addi %rem3A_121, %select_n3A_120 : i32
    %select_n3A_131 = arith.select %and3A_129, %add3A_130, %rem3A_121 : i32
    %broadcast_in_dim3A_132 = vector.broadcast %select_n3A_131 : i32 to vector<16xi32>
    %eq3A_133 = arith.cmpi eq, %iota3A, %broadcast_in_dim3A_132 : vector<16xi32>
    %broadcast_in_dim3A_134 = arith.constant 0xFF800000 : f32
    %broadcast_in_dim3A_135 = vector.broadcast %broadcast_in_dim3A_134 : f32 to vector<16xf32>
    %select_n3A_136 = arith.select %eq3A_133, %get3A_115, %broadcast_in_dim3A_135 : vector<16xi1>, vector<16xf32>
    %broadcast_in_dim3A_137 = arith.constant 0xFF800000 : f32
    %broadcast_in_dim3A_138 = vector.broadcast %broadcast_in_dim3A_137 : f32 to vector<16xf32>
    %swap3A_139 = arith.constant 16 : index
    %swap3A_140 = tpu.vector_load %arg9[%swap3A_139] {strides = array<i32>} : memref<32xf32, #tpu.memory_space<vmem>>, vector<16xf32>,
    %swap3A_141 = vector.shape_cast %swap3A_140 : vector<16xf32> to vector<16xf32>
    %swap3A_142 = vector.shape_cast %broadcast_in_dim3A_138 : vector<16xf32> to vector<16xf32>
    tpu.vector_store %arg9[%swap3A_139], %swap3A_142 {strides = array<i32>} : memref<32xf32, #tpu.memory_space<vmem>>, vector<16xf32>,
    %swap3A_143 = arith.constant 0 : index
    %swap3A_144 = tpu.vector_load %arg9[%swap3A_143] {strides = array<i32>} : memref<32xf32, #tpu.memory_space<vmem>>, vector<16xf32>,
    %swap3A_145 = vector.shape_cast %swap3A_144 : vector<16xf32> to vector<16xf32>
    %swap3A_146 = vector.shape_cast %select_n3A_136 : vector<16xf32> to vector<16xf32>
    tpu.vector_store %arg9[%swap3A_143], %swap3A_146 {strides = array<i32>} : memref<32xf32, #tpu.memory_space<vmem>>, vector<16xf32>,
    %get3A_147 = arith.constant 8 : index
    %get3A_148 = tpu.vector_load %arg9[%get3A_147] {strides = array<i32>} : memref<32xf32, #tpu.memory_space<vmem>>, vector<16xf32>,
    %get3A_149 = vector.shape_cast %get3A_148 : vector<16xf32> to vector<16xf32>
    %max3A_150 = arith.maximumf %select_n3A_136, %get3A_149 : vector<16xf32>
    %swap3A_151 = arith.constant 0 : index
    %swap3A_152 = tpu.vector_load %arg9[%swap3A_151] {strides = array<i32>} : memref<32xf32, #tpu.memory_space<vmem>>, vector<16xf32>,
    %swap3A_153 = vector.shape_cast %swap3A_152 : vector<16xf32> to vector<16xf32>
    %swap3A_154 = vector.shape_cast %max3A_150 : vector<16xf32> to vector<16xf32>
    tpu.vector_store %arg9[%swap3A_151], %swap3A_154 {strides = array<i32>} : memref<32xf32, #tpu.memory_space<vmem>>, vector<16xf32>,
    %get3A_155 = arith.constant 4 : index
    %get3A_156 = tpu.vector_load %arg9[%get3A_155] {strides = array<i32>} : memref<32xf32, #tpu.memory_space<vmem>>, vector<16xf32>,
    %get3A_157 = vector.shape_cast %get3A_156 : vector<16xf32> to vector<16xf32>
    %max3A_158 = arith.maximumf %max3A_150, %get3A_157 : vector<16xf32>
    %swap3A_159 = arith.constant 0 : index
    %swap3A_160 = tpu.vector_load %arg9[%swap3A_159] {strides = array<i32>} : memref<32xf32, #tpu.memory_space<vmem>>, vector<16xf32>,
    %swap3A_161 = vector.shape_cast %swap3A_160 : vector<16xf32> to vector<16xf32>
    %swap3A_162 = vector.shape_cast %max3A_158 : vector<16xf32> to vector<16xf32>
    tpu.vector_store %arg9[%swap3A_159], %swap3A_162 {strides = array<i32>} : memref<32xf32, #tpu.memory_space<vmem>>, vector<16xf32>,
    %get3A_163 = arith.constant 2 : index
    %get3A_164 = tpu.vector_load %arg9[%get3A_163] {strides = array<i32>} : memref<32xf32, #tpu.memory_space<vmem>>, vector<16xf32>,
    %get3A_165 = vector.shape_cast %get3A_164 : vector<16xf32> to vector<16xf32>
    %max3A_166 = arith.maximumf %max3A_158, %get3A_165 : vector<16xf32>
    %swap3A_167 = arith.constant 0 : index
    %swap3A_168 = tpu.vector_load %arg9[%swap3A_167] {strides = array<i32>} : memref<32xf32, #tpu.memory_space<vmem>>, vector<16xf32>,
    %swap3A_169 = vector.shape_cast %swap3A_168 : vector<16xf32> to vector<16xf32>
    %swap3A_170 = vector.shape_cast %max3A_166 : vector<16xf32> to vector<16xf32>
    tpu.vector_store %arg9[%swap3A_167], %swap3A_170 {strides = array<i32>} : memref<32xf32, #tpu.memory_space<vmem>>, vector<16xf32>,
    %get3A_171 = arith.constant 1 : index
    %get3A_172 = tpu.vector_load %arg9[%get3A_171] {strides = array<i32>} : memref<32xf32, #tpu.memory_space<vmem>>, vector<16xf32>,
    %get3A_173 = vector.shape_cast %get3A_172 : vector<16xf32> to vector<16xf32>
    %max3A_174 = arith.maximumf %max3A_166, %get3A_173 : vector<16xf32>
    %slice3A_175 = vector.extract_strided_slice %max3A_174 {offsets = [0], sizes = [1], strides = [1]} : vector<16xf32> to vector<1xf32>
    %squeeze3A_176 = vector.extract %slice3A_175[0] : f32 from vector<1xf32>
    %broadcast_in_dim3A_177 = vector.broadcast %squeeze3A_176 : f32 to vector<16xf32>
    %jit3A_178 = arith.constant 16 : i32
    %eq3A_179 = arith.constant 0 : i32
    %eq3A_180 = arith.cmpi eq, %jit3A_178, %eq3A_179 : i32
    %jit3A_181 = arith.constant 1 : i32
    %select_n3A_182 = arith.select %eq3A_180, %jit3A_181, %jit3A_178 : i32
    %rem3A_183 = arith.remsi %convert_element_type3A_85, %select_n3A_182 : i32
    %ne3A_184 = arith.constant 0 : i32
    %ne3A_185 = arith.cmpi ne, %rem3A_183, %ne3A_184 : i32
    %lt3A_186 = arith.constant 0 : i32
    %lt3A_187 = arith.cmpi slt, %rem3A_183, %lt3A_186 : i32
    %lt3A_188 = arith.constant 0 : i32
    %lt3A_189 = arith.cmpi slt, %select_n3A_182, %lt3A_188 : i32
    %ne3A_190 = arith.xori %lt3A_187, %lt3A_189 : i1
    %and3A_191 = arith.andi %ne3A_190, %ne3A_185 : i1
    %add3A_192 = arith.addi %rem3A_183, %select_n3A_182 : i32
    %select_n3A_193 = arith.select %and3A_191, %add3A_192, %rem3A_183 : i32
    %broadcast_in_dim3A_194 = vector.broadcast %select_n3A_193 : i32 to vector<16xi32>
    %eq3A_195 = arith.cmpi eq, %iota3A, %broadcast_in_dim3A_194 : vector<16xi32>
    %bitcast_convert_type3A = tpu.bitcast %get3A_115 : vector<16xf32> -> vector<16xi32>
    %shift_right_arithmetic3A = arith.constant 31 : i32
    %shift_right_arithmetic3A_196 = vector.broadcast %shift_right_arithmetic3A : i32 to vector<16xi32>
    %shift_right_arithmetic3A_197 = arith.shrsi %bitcast_convert_type3A, %shift_right_arithmetic3A_196 : vector<16xi32>
    %and3A_198 = arith.constant 2147483647 : i32
    %and3A_199 = vector.broadcast %and3A_198 : i32 to vector<16xi32>
    %and3A_200 = arith.andi %shift_right_arithmetic3A_197, %and3A_199 : vector<16xi32>
    %xor3A = arith.xori %bitcast_convert_type3A, %and3A_200 : vector<16xi32>
    %broadcast_in_dim3A_201 = arith.constant -2147483648 : i32
    %broadcast_in_dim3A_202 = vector.broadcast %broadcast_in_dim3A_201 : i32 to vector<16xi32>
    %select_n3A_203 = arith.select %eq3A_195, %xor3A, %broadcast_in_dim3A_202 : vector<16xi1>, vector<16xi32>
    %broadcast_in_dim3A_204 = arith.constant -2147483648 : i32
    %broadcast_in_dim3A_205 = vector.broadcast %broadcast_in_dim3A_204 : i32 to vector<16xi32>
    %swap3A_206 = arith.constant 16 : index
    %swap3A_207 = tpu.vector_load %arg10[%swap3A_206] {strides = array<i32>} : memref<32xi32, #tpu.memory_space<vmem>>, vector<16xi32>,
    %swap3A_208 = vector.shape_cast %swap3A_207 : vector<16xi32> to vector<16xi32>
    %swap3A_209 = vector.shape_cast %broadcast_in_dim3A_205 : vector<16xi32> to vector<16xi32>
    tpu.vector_store %arg10[%swap3A_206], %swap3A_209 {strides = array<i32>} : memref<32xi32, #tpu.memory_space<vmem>>, vector<16xi32>,
    %swap3A_210 = arith.constant 0 : index
    %swap3A_211 = tpu.vector_load %arg10[%swap3A_210] {strides = array<i32>} : memref<32xi32, #tpu.memory_space<vmem>>, vector<16xi32>,
    %swap3A_212 = vector.shape_cast %swap3A_211 : vector<16xi32> to vector<16xi32>
    %swap3A_213 = vector.shape_cast %select_n3A_203 : vector<16xi32> to vector<16xi32>
    tpu.vector_store %arg10[%swap3A_210], %swap3A_213 {strides = array<i32>} : memref<32xi32, #tpu.memory_space<vmem>>, vector<16xi32>,
    %get3A_214 = arith.constant 8 : index
    %get3A_215 = tpu.vector_load %arg10[%get3A_214] {strides = array<i32>} : memref<32xi32, #tpu.memory_space<vmem>>, vector<16xi32>,
    %get3A_216 = vector.shape_cast %get3A_215 : vector<16xi32> to vector<16xi32>
    %max3A_217 = arith.maxsi %select_n3A_203, %get3A_216 : vector<16xi32>
    %swap3A_218 = arith.constant 0 : index
    %swap3A_219 = tpu.vector_load %arg10[%swap3A_218] {strides = array<i32>} : memref<32xi32, #tpu.memory_space<vmem>>, vector<16xi32>,
    %swap3A_220 = vector.shape_cast %swap3A_219 : vector<16xi32> to vector<16xi32>
    %swap3A_221 = vector.shape_cast %max3A_217 : vector<16xi32> to vector<16xi32>
    tpu.vector_store %arg10[%swap3A_218], %swap3A_221 {strides = array<i32>} : memref<32xi32, #tpu.memory_space<vmem>>, vector<16xi32>,
    %get3A_222 = arith.constant 4 : index
    %get3A_223 = tpu.vector_load %arg10[%get3A_222] {strides = array<i32>} : memref<32xi32, #tpu.memory_space<vmem>>, vector<16xi32>,
    %get3A_224 = vector.shape_cast %get3A_223 : vector<16xi32> to vector<16xi32>
    %max3A_225 = arith.maxsi %max3A_217, %get3A_224 : vector<16xi32>
    %swap3A_226 = arith.constant 0 : index
    %swap3A_227 = tpu.vector_load %arg10[%swap3A_226] {strides = array<i32>} : memref<32xi32, #tpu.memory_space<vmem>>, vector<16xi32>,
    %swap3A_228 = vector.shape_cast %swap3A_227 : vector<16xi32> to vector<16xi32>
    %swap3A_229 = vector.shape_cast %max3A_225 : vector<16xi32> to vector<16xi32>
    tpu.vector_store %arg10[%swap3A_226], %swap3A_229 {strides = array<i32>} : memref<32xi32, #tpu.memory_space<vmem>>, vector<16xi32>,
    %get3A_230 = arith.constant 2 : index
    %get3A_231 = tpu.vector_load %arg10[%get3A_230] {strides = array<i32>} : memref<32xi32, #tpu.memory_space<vmem>>, vector<16xi32>,
    %get3A_232 = vector.shape_cast %get3A_231 : vector<16xi32> to vector<16xi32>
    %max3A_233 = arith.maxsi %max3A_225, %get3A_232 : vector<16xi32>
    %swap3A_234 = arith.constant 0 : index
    %swap3A_235 = tpu.vector_load %arg10[%swap3A_234] {strides = array<i32>} : memref<32xi32, #tpu.memory_space<vmem>>, vector<16xi32>,
    %swap3A_236 = vector.shape_cast %swap3A_235 : vector<16xi32> to vector<16xi32>
    %swap3A_237 = vector.shape_cast %max3A_233 : vector<16xi32> to vector<16xi32>
    tpu.vector_store %arg10[%swap3A_234], %swap3A_237 {strides = array<i32>} : memref<32xi32, #tpu.memory_space<vmem>>, vector<16xi32>,
    %get3A_238 = arith.constant 1 : index
    %get3A_239 = tpu.vector_load %arg10[%get3A_238] {strides = array<i32>} : memref<32xi32, #tpu.memory_space<vmem>>, vector<16xi32>,
    %get3A_240 = vector.shape_cast %get3A_239 : vector<16xi32> to vector<16xi32>
    %max3A_241 = arith.maxsi %max3A_233, %get3A_240 : vector<16xi32>
    %slice3A_242 = vector.extract_strided_slice %max3A_241 {offsets = [0], sizes = [1], strides = [1]} : vector<16xi32> to vector<1xi32>
    %squeeze3A_243 = vector.extract %slice3A_242[0] : i32 from vector<1xi32>
    %broadcast_in_dim3A_244 = arith.constant 0xFF800000 : f32
    %broadcast_in_dim3A_245 = vector.broadcast %broadcast_in_dim3A_244 : f32 to vector<16xf32>
    %scan3A = arith.constant 0 : i32
    %scan3A_246 = arith.constant 256 : i32
    %scan3A_247 = arith.addi %scan3A, %scan3A_246 : i32
    %scan3A_248 = arith.constant 1 : i32
    %scan3A_249:4 = scf.for %scan3A_448 = %scan3A to %scan3A_247 step %scan3A_248 iter_args(%scan3A_449 = %broadcast_in_dim3A_245, %scan3A_450 = %broadcast_in_dim3A_245, %scan3A_451 = %broadcast_in_dim3A_1, %scan3A_452 = %broadcast_in_dim3A_1) -> (vector<16xf32>, vector<16xf32>, vector<16xf32>, vector<16xf32>)  : i32 {
      %mul3A_453 = arith.constant 128 : i32
      %mul3A_454 = arith.muli %scan3A_448, %mul3A_453 : i32
      %add3A_455 = arith.constant 0 : i32
      %add3A_456 = arith.addi %mul3A_454, %add3A_455 : i32
      %get3A_457 = arith.index_cast %add3A_456 : i32 to index
      %get3A_458 = tpu.vector_load %arg5[%get3A_457] {strides = array<i32>} : memref<32768xf32, #tpu.memory_space<vmem>>, vector<16xf32>,
      %get3A_459 = vector.shape_cast %get3A_458 : vector<16xf32> to vector<16xf32>
      %add3A_460 = arith.constant 16 : i32
      %add3A_461 = arith.addi %add3A_456, %add3A_460 : i32
      %get3A_462 = arith.index_cast %add3A_461 : i32 to index
      %get3A_463 = tpu.vector_load %arg5[%get3A_462] {strides = array<i32>} : memref<32768xf32, #tpu.memory_space<vmem>>, vector<16xf32>,
      %get3A_464 = vector.shape_cast %get3A_463 : vector<16xf32> to vector<16xf32>
      %bitcast_convert_type3A_465 = tpu.bitcast %get3A_459 : vector<16xf32> -> vector<16xi32>
      %shift_right_arithmetic3A_466 = arith.constant 31 : i32
      %shift_right_arithmetic3A_467 = vector.broadcast %shift_right_arithmetic3A_466 : i32 to vector<16xi32>
      %shift_right_arithmetic3A_468 = arith.shrsi %bitcast_convert_type3A_465, %shift_right_arithmetic3A_467 : vector<16xi32>
      %and3A_469 = arith.constant 2147483647 : i32
      %and3A_470 = vector.broadcast %and3A_469 : i32 to vector<16xi32>
      %and3A_471 = arith.andi %shift_right_arithmetic3A_468, %and3A_470 : vector<16xi32>
      %xor3A_472 = arith.xori %bitcast_convert_type3A_465, %and3A_471 : vector<16xi32>
      %bitcast_convert_type3A_473 = tpu.bitcast %get3A_464 : vector<16xf32> -> vector<16xi32>
      %shift_right_arithmetic3A_474 = arith.constant 31 : i32
      %shift_right_arithmetic3A_475 = vector.broadcast %shift_right_arithmetic3A_474 : i32 to vector<16xi32>
      %shift_right_arithmetic3A_476 = arith.shrsi %bitcast_convert_type3A_473, %shift_right_arithmetic3A_475 : vector<16xi32>
      %and3A_477 = arith.constant 2147483647 : i32
      %and3A_478 = vector.broadcast %and3A_477 : i32 to vector<16xi32>
      %and3A_479 = arith.andi %shift_right_arithmetic3A_476, %and3A_478 : vector<16xi32>
      %xor3A_480 = arith.xori %bitcast_convert_type3A_473, %and3A_479 : vector<16xi32>
      %swap3A_481 = arith.index_cast %add3A_456 : i32 to index
      %swap3A_482 = tpu.vector_load %arg6[%swap3A_481] {strides = array<i32>} : memref<32768xi32, #tpu.memory_space<vmem>>, vector<16xi32>,
      %swap3A_483 = vector.shape_cast %swap3A_482 : vector<16xi32> to vector<16xi32>
      %swap3A_484 = vector.shape_cast %xor3A_472 : vector<16xi32> to vector<16xi32>
      tpu.vector_store %arg6[%swap3A_481], %swap3A_484 {strides = array<i32>} : memref<32768xi32, #tpu.memory_space<vmem>>, vector<16xi32>,
      %add3A_485 = arith.constant 16 : i32
      %add3A_486 = arith.addi %add3A_456, %add3A_485 : i32
      %swap3A_487 = arith.index_cast %add3A_486 : i32 to index
      %swap3A_488 = tpu.vector_load %arg6[%swap3A_487] {strides = array<i32>} : memref<32768xi32, #tpu.memory_space<vmem>>, vector<16xi32>,
      %swap3A_489 = vector.shape_cast %swap3A_488 : vector<16xi32> to vector<16xi32>
      %swap3A_490 = vector.shape_cast %xor3A_480 : vector<16xi32> to vector<16xi32>
      tpu.vector_store %arg6[%swap3A_487], %swap3A_490 {strides = array<i32>} : memref<32768xi32, #tpu.memory_space<vmem>>, vector<16xi32>,
      %max3A_491 = arith.maximumf %scan3A_449, %get3A_459 : vector<16xf32>
      %max3A_492 = arith.maximumf %scan3A_450, %get3A_464 : vector<16xf32>
      %broadcast_in_dim3A_493 = arith.constant 0 : i32
      %broadcast_in_dim3A_494 = vector.broadcast %broadcast_in_dim3A_493 : i32 to vector<16xi32>
      %ge3A_495 = arith.cmpi sge, %xor3A_472, %broadcast_in_dim3A_494 : vector<16xi32>
      %select_n3A_496 = arith.select %ge3A_495, %broadcast_in_dim3A_3, %broadcast_in_dim3A_1 : vector<16xi1>, vector<16xf32>
      %add3A_497 = arith.addf %scan3A_451, %select_n3A_496 : vector<16xf32>
      %broadcast_in_dim3A_498 = arith.constant 0 : i32
      %broadcast_in_dim3A_499 = vector.broadcast %broadcast_in_dim3A_498 : i32 to vector<16xi32>
      %ge3A_500 = arith.cmpi sge, %xor3A_480, %broadcast_in_dim3A_499 : vector<16xi32>
      %select_n3A_501 = arith.select %ge3A_500, %broadcast_in_dim3A_3, %broadcast_in_dim3A_1 : vector<16xi1>, vector<16xf32>
      %add3A_502 = arith.addf %scan3A_452, %select_n3A_501 : vector<16xf32>
      %mul3A_503 = arith.constant 128 : i32
      %mul3A_504 = arith.muli %scan3A_448, %mul3A_503 : i32
      %add3A_505 = arith.constant 32 : i32
      %add3A_506 = arith.addi %mul3A_504, %add3A_505 : i32
      %get3A_507 = arith.index_cast %add3A_506 : i32 to index
      %get3A_508 = tpu.vector_load %arg5[%get3A_507] {strides = array<i32>} : memref<32768xf32, #tpu.memory_space<vmem>>, vector<16xf32>,
      %get3A_509 = vector.shape_cast %get3A_508 : vector<16xf32> to vector<16xf32>
      %add3A_510 = arith.constant 16 : i32
      %add3A_511 = arith.addi %add3A_506, %add3A_510 : i32
      %get3A_512 = arith.index_cast %add3A_511 : i32 to index
      %get3A_513 = tpu.vector_load %arg5[%get3A_512] {strides = array<i32>} : memref<32768xf32, #tpu.memory_space<vmem>>, vector<16xf32>,
      %get3A_514 = vector.shape_cast %get3A_513 : vector<16xf32> to vector<16xf32>
      %bitcast_convert_type3A_515 = tpu.bitcast %get3A_509 : vector<16xf32> -> vector<16xi32>
      %shift_right_arithmetic3A_516 = arith.constant 31 : i32
      %shift_right_arithmetic3A_517 = vector.broadcast %shift_right_arithmetic3A_516 : i32 to vector<16xi32>
      %shift_right_arithmetic3A_518 = arith.shrsi %bitcast_convert_type3A_515, %shift_right_arithmetic3A_517 : vector<16xi32>
      %and3A_519 = arith.constant 2147483647 : i32
      %and3A_520 = vector.broadcast %and3A_519 : i32 to vector<16xi32>
      %and3A_521 = arith.andi %shift_right_arithmetic3A_518, %and3A_520 : vector<16xi32>
      %xor3A_522 = arith.xori %bitcast_convert_type3A_515, %and3A_521 : vector<16xi32>
      %bitcast_convert_type3A_523 = tpu.bitcast %get3A_514 : vector<16xf32> -> vector<16xi32>
      %shift_right_arithmetic3A_524 = arith.constant 31 : i32
      %shift_right_arithmetic3A_525 = vector.broadcast %shift_right_arithmetic3A_524 : i32 to vector<16xi32>
      %shift_right_arithmetic3A_526 = arith.shrsi %bitcast_convert_type3A_523, %shift_right_arithmetic3A_525 : vector<16xi32>
      %and3A_527 = arith.constant 2147483647 : i32
      %and3A_528 = vector.broadcast %and3A_527 : i32 to vector<16xi32>
      %and3A_529 = arith.andi %shift_right_arithmetic3A_526, %and3A_528 : vector<16xi32>
      %xor3A_530 = arith.xori %bitcast_convert_type3A_523, %and3A_529 : vector<16xi32>
      %swap3A_531 = arith.index_cast %add3A_506 : i32 to index
      %swap3A_532 = tpu.vector_load %arg6[%swap3A_531] {strides = array<i32>} : memref<32768xi32, #tpu.memory_space<vmem>>, vector<16xi32>,
      %swap3A_533 = vector.shape_cast %swap3A_532 : vector<16xi32> to vector<16xi32>
      %swap3A_534 = vector.shape_cast %xor3A_522 : vector<16xi32> to vector<16xi32>
      tpu.vector_store %arg6[%swap3A_531], %swap3A_534 {strides = array<i32>} : memref<32768xi32, #tpu.memory_space<vmem>>, vector<16xi32>,
      %add3A_535 = arith.constant 16 : i32
      %add3A_536 = arith.addi %add3A_506, %add3A_535 : i32
      %swap3A_537 = arith.index_cast %add3A_536 : i32 to index
      %swap3A_538 = tpu.vector_load %arg6[%swap3A_537] {strides = array<i32>} : memref<32768xi32, #tpu.memory_space<vmem>>, vector<16xi32>,
      %swap3A_539 = vector.shape_cast %swap3A_538 : vector<16xi32> to vector<16xi32>
      %swap3A_540 = vector.shape_cast %xor3A_530 : vector<16xi32> to vector<16xi32>
      tpu.vector_store %arg6[%swap3A_537], %swap3A_540 {strides = array<i32>} : memref<32768xi32, #tpu.memory_space<vmem>>, vector<16xi32>,
      %max3A_541 = arith.maximumf %max3A_491, %get3A_509 : vector<16xf32>
      %max3A_542 = arith.maximumf %max3A_492, %get3A_514 : vector<16xf32>
      %broadcast_in_dim3A_543 = arith.constant 0 : i32
      %broadcast_in_dim3A_544 = vector.broadcast %broadcast_in_dim3A_543 : i32 to vector<16xi32>
      %ge3A_545 = arith.cmpi sge, %xor3A_522, %broadcast_in_dim3A_544 : vector<16xi32>
      %select_n3A_546 = arith.select %ge3A_545, %broadcast_in_dim3A_3, %broadcast_in_dim3A_1 : vector<16xi1>, vector<16xf32>
      %add3A_547 = arith.addf %add3A_497, %select_n3A_546 : vector<16xf32>
      %broadcast_in_dim3A_548 = arith.constant 0 : i32
      %broadcast_in_dim3A_549 = vector.broadcast %broadcast_in_dim3A_548 : i32 to vector<16xi32>
      %ge3A_550 = arith.cmpi sge, %xor3A_530, %broadcast_in_dim3A_549 : vector<16xi32>
      %select_n3A_551 = arith.select %ge3A_550, %broadcast_in_dim3A_3, %broadcast_in_dim3A_1 : vector<16xi1>, vector<16xf32>
      %add3A_552 = arith.addf %add3A_502, %select_n3A_551 : vector<16xf32>
      %mul3A_553 = arith.constant 128 : i32
      %mul3A_554 = arith.muli %scan3A_448, %mul3A_553 : i32
      %add3A_555 = arith.constant 64 : i32
      %add3A_556 = arith.addi %mul3A_554, %add3A_555 : i32
      %get3A_557 = arith.index_cast %add3A_556 : i32 to index
      %get3A_558 = tpu.vector_load %arg5[%get3A_557] {strides = array<i32>} : memref<32768xf32, #tpu.memory_space<vmem>>, vector<16xf32>,
      %get3A_559 = vector.shape_cast %get3A_558 : vector<16xf32> to vector<16xf32>
      %add3A_560 = arith.constant 16 : i32
      %add3A_561 = arith.addi %add3A_556, %add3A_560 : i32
      %get3A_562 = arith.index_cast %add3A_561 : i32 to index
      %get3A_563 = tpu.vector_load %arg5[%get3A_562] {strides = array<i32>} : memref<32768xf32, #tpu.memory_space<vmem>>, vector<16xf32>,
      %get3A_564 = vector.shape_cast %get3A_563 : vector<16xf32> to vector<16xf32>
      %bitcast_convert_type3A_565 = tpu.bitcast %get3A_559 : vector<16xf32> -> vector<16xi32>
      %shift_right_arithmetic3A_566 = arith.constant 31 : i32
      %shift_right_arithmetic3A_567 = vector.broadcast %shift_right_arithmetic3A_566 : i32 to vector<16xi32>
      %shift_right_arithmetic3A_568 = arith.shrsi %bitcast_convert_type3A_565, %shift_right_arithmetic3A_567 : vector<16xi32>
      %and3A_569 = arith.constant 2147483647 : i32
      %and3A_570 = vector.broadcast %and3A_569 : i32 to vector<16xi32>
      %and3A_571 = arith.andi %shift_right_arithmetic3A_568, %and3A_570 : vector<16xi32>
      %xor3A_572 = arith.xori %bitcast_convert_type3A_565, %and3A_571 : vector<16xi32>
      %bitcast_convert_type3A_573 = tpu.bitcast %get3A_564 : vector<16xf32> -> vector<16xi32>
      %shift_right_arithmetic3A_574 = arith.constant 31 : i32
      %shift_right_arithmetic3A_575 = vector.broadcast %shift_right_arithmetic3A_574 : i32 to vector<16xi32>
      %shift_right_arithmetic3A_576 = arith.shrsi %bitcast_convert_type3A_573, %shift_right_arithmetic3A_575 : vector<16xi32>
      %and3A_577 = arith.constant 2147483647 : i32
      %and3A_578 = vector.broadcast %and3A_577 : i32 to vector<16xi32>
      %and3A_579 = arith.andi %shift_right_arithmetic3A_576, %and3A_578 : vector<16xi32>
      %xor3A_580 = arith.xori %bitcast_convert_type3A_573, %and3A_579 : vector<16xi32>
      %swap3A_581 = arith.index_cast %add3A_556 : i32 to index
      %swap3A_582 = tpu.vector_load %arg6[%swap3A_581] {strides = array<i32>} : memref<32768xi32, #tpu.memory_space<vmem>>, vector<16xi32>,
      %swap3A_583 = vector.shape_cast %swap3A_582 : vector<16xi32> to vector<16xi32>
      %swap3A_584 = vector.shape_cast %xor3A_572 : vector<16xi32> to vector<16xi32>
      tpu.vector_store %arg6[%swap3A_581], %swap3A_584 {strides = array<i32>} : memref<32768xi32, #tpu.memory_space<vmem>>, vector<16xi32>,
      %add3A_585 = arith.constant 16 : i32
      %add3A_586 = arith.addi %add3A_556, %add3A_585 : i32
      %swap3A_587 = arith.index_cast %add3A_586 : i32 to index
      %swap3A_588 = tpu.vector_load %arg6[%swap3A_587] {strides = array<i32>} : memref<32768xi32, #tpu.memory_space<vmem>>, vector<16xi32>,
      %swap3A_589 = vector.shape_cast %swap3A_588 : vector<16xi32> to vector<16xi32>
      %swap3A_590 = vector.shape_cast %xor3A_580 : vector<16xi32> to vector<16xi32>
      tpu.vector_store %arg6[%swap3A_587], %swap3A_590 {strides = array<i32>} : memref<32768xi32, #tpu.memory_space<vmem>>, vector<16xi32>,
      %max3A_591 = arith.maximumf %max3A_541, %get3A_559 : vector<16xf32>
      %max3A_592 = arith.maximumf %max3A_542, %get3A_564 : vector<16xf32>
      %broadcast_in_dim3A_593 = arith.constant 0 : i32
      %broadcast_in_dim3A_594 = vector.broadcast %broadcast_in_dim3A_593 : i32 to vector<16xi32>
      %ge3A_595 = arith.cmpi sge, %xor3A_572, %broadcast_in_dim3A_594 : vector<16xi32>
      %select_n3A_596 = arith.select %ge3A_595, %broadcast_in_dim3A_3, %broadcast_in_dim3A_1 : vector<16xi1>, vector<16xf32>
      %add3A_597 = arith.addf %add3A_547, %select_n3A_596 : vector<16xf32>
      %broadcast_in_dim3A_598 = arith.constant 0 : i32
      %broadcast_in_dim3A_599 = vector.broadcast %broadcast_in_dim3A_598 : i32 to vector<16xi32>
      %ge3A_600 = arith.cmpi sge, %xor3A_580, %broadcast_in_dim3A_599 : vector<16xi32>
      %select_n3A_601 = arith.select %ge3A_600, %broadcast_in_dim3A_3, %broadcast_in_dim3A_1 : vector<16xi1>, vector<16xf32>
      %add3A_602 = arith.addf %add3A_552, %select_n3A_601 : vector<16xf32>
      %mul3A_603 = arith.constant 128 : i32
      %mul3A_604 = arith.muli %scan3A_448, %mul3A_603 : i32
      %add3A_605 = arith.constant 96 : i32
      %add3A_606 = arith.addi %mul3A_604, %add3A_605 : i32
      %get3A_607 = arith.index_cast %add3A_606 : i32 to index
      %get3A_608 = tpu.vector_load %arg5[%get3A_607] {strides = array<i32>} : memref<32768xf32, #tpu.memory_space<vmem>>, vector<16xf32>,
      %get3A_609 = vector.shape_cast %get3A_608 : vector<16xf32> to vector<16xf32>
      %add3A_610 = arith.constant 16 : i32
      %add3A_611 = arith.addi %add3A_606, %add3A_610 : i32
      %get3A_612 = arith.index_cast %add3A_611 : i32 to index
      %get3A_613 = tpu.vector_load %arg5[%get3A_612] {strides = array<i32>} : memref<32768xf32, #tpu.memory_space<vmem>>, vector<16xf32>,
      %get3A_614 = vector.shape_cast %get3A_613 : vector<16xf32> to vector<16xf32>
      %bitcast_convert_type3A_615 = tpu.bitcast %get3A_609 : vector<16xf32> -> vector<16xi32>
      %shift_right_arithmetic3A_616 = arith.constant 31 : i32
      %shift_right_arithmetic3A_617 = vector.broadcast %shift_right_arithmetic3A_616 : i32 to vector<16xi32>
      %shift_right_arithmetic3A_618 = arith.shrsi %bitcast_convert_type3A_615, %shift_right_arithmetic3A_617 : vector<16xi32>
      %and3A_619 = arith.constant 2147483647 : i32
      %and3A_620 = vector.broadcast %and3A_619 : i32 to vector<16xi32>
      %and3A_621 = arith.andi %shift_right_arithmetic3A_618, %and3A_620 : vector<16xi32>
      %xor3A_622 = arith.xori %bitcast_convert_type3A_615, %and3A_621 : vector<16xi32>
      %bitcast_convert_type3A_623 = tpu.bitcast %get3A_614 : vector<16xf32> -> vector<16xi32>
      %shift_right_arithmetic3A_624 = arith.constant 31 : i32
      %shift_right_arithmetic3A_625 = vector.broadcast %shift_right_arithmetic3A_624 : i32 to vector<16xi32>
      %shift_right_arithmetic3A_626 = arith.shrsi %bitcast_convert_type3A_623, %shift_right_arithmetic3A_625 : vector<16xi32>
      %and3A_627 = arith.constant 2147483647 : i32
      %and3A_628 = vector.broadcast %and3A_627 : i32 to vector<16xi32>
      %and3A_629 = arith.andi %shift_right_arithmetic3A_626, %and3A_628 : vector<16xi32>
      %xor3A_630 = arith.xori %bitcast_convert_type3A_623, %and3A_629 : vector<16xi32>
      %swap3A_631 = arith.index_cast %add3A_606 : i32 to index
      %swap3A_632 = tpu.vector_load %arg6[%swap3A_631] {strides = array<i32>} : memref<32768xi32, #tpu.memory_space<vmem>>, vector<16xi32>,
      %swap3A_633 = vector.shape_cast %swap3A_632 : vector<16xi32> to vector<16xi32>
      %swap3A_634 = vector.shape_cast %xor3A_622 : vector<16xi32> to vector<16xi32>
      tpu.vector_store %arg6[%swap3A_631], %swap3A_634 {strides = array<i32>} : memref<32768xi32, #tpu.memory_space<vmem>>, vector<16xi32>,
      %add3A_635 = arith.constant 16 : i32
      %add3A_636 = arith.addi %add3A_606, %add3A_635 : i32
      %swap3A_637 = arith.index_cast %add3A_636 : i32 to index
      %swap3A_638 = tpu.vector_load %arg6[%swap3A_637] {strides = array<i32>} : memref<32768xi32, #tpu.memory_space<vmem>>, vector<16xi32>,
      %swap3A_639 = vector.shape_cast %swap3A_638 : vector<16xi32> to vector<16xi32>
      %swap3A_640 = vector.shape_cast %xor3A_630 : vector<16xi32> to vector<16xi32>
      tpu.vector_store %arg6[%swap3A_637], %swap3A_640 {strides = array<i32>} : memref<32768xi32, #tpu.memory_space<vmem>>, vector<16xi32>,
      %max3A_641 = arith.maximumf %max3A_591, %get3A_609 : vector<16xf32>
      %max3A_642 = arith.maximumf %max3A_592, %get3A_614 : vector<16xf32>
      %broadcast_in_dim3A_643 = arith.constant 0 : i32
      %broadcast_in_dim3A_644 = vector.broadcast %broadcast_in_dim3A_643 : i32 to vector<16xi32>
      %ge3A_645 = arith.cmpi sge, %xor3A_622, %broadcast_in_dim3A_644 : vector<16xi32>
      %select_n3A_646 = arith.select %ge3A_645, %broadcast_in_dim3A_3, %broadcast_in_dim3A_1 : vector<16xi1>, vector<16xf32>
      %add3A_647 = arith.addf %add3A_597, %select_n3A_646 : vector<16xf32>
      %broadcast_in_dim3A_648 = arith.constant 0 : i32
      %broadcast_in_dim3A_649 = vector.broadcast %broadcast_in_dim3A_648 : i32 to vector<16xi32>
      %ge3A_650 = arith.cmpi sge, %xor3A_630, %broadcast_in_dim3A_649 : vector<16xi32>
      %select_n3A_651 = arith.select %ge3A_650, %broadcast_in_dim3A_3, %broadcast_in_dim3A_1 : vector<16xi1>, vector<16xf32>
      %add3A_652 = arith.addf %add3A_602, %select_n3A_651 : vector<16xf32>
      scf.yield %max3A_641, %max3A_642, %add3A_647, %add3A_652 : vector<16xf32>, vector<16xf32>, vector<16xf32>, vector<16xf32>
    }
    %scan3A_250 = arith.constant 256 : i32
    %max3A_251 = arith.maximumf %scan3A_249#0, %scan3A_249#1 : vector<16xf32>
    %add3A_252 = arith.addf %scan3A_249#2, %scan3A_249#3 : vector<16xf32>
    %broadcast_in_dim3A_253 = arith.constant 0xFF800000 : f32
    %broadcast_in_dim3A_254 = vector.broadcast %broadcast_in_dim3A_253 : f32 to vector<16xf32>
    %swap3A_255 = arith.constant 16 : index
    %swap3A_256 = tpu.vector_load %arg9[%swap3A_255] {strides = array<i32>} : memref<32xf32, #tpu.memory_space<vmem>>, vector<16xf32>,
    %swap3A_257 = vector.shape_cast %swap3A_256 : vector<16xf32> to vector<16xf32>
    %swap3A_258 = vector.shape_cast %broadcast_in_dim3A_254 : vector<16xf32> to vector<16xf32>
    tpu.vector_store %arg9[%swap3A_255], %swap3A_258 {strides = array<i32>} : memref<32xf32, #tpu.memory_space<vmem>>, vector<16xf32>,
    %swap3A_259 = arith.constant 0 : index
    %swap3A_260 = tpu.vector_load %arg9[%swap3A_259] {strides = array<i32>} : memref<32xf32, #tpu.memory_space<vmem>>, vector<16xf32>,
    %swap3A_261 = vector.shape_cast %swap3A_260 : vector<16xf32> to vector<16xf32>
    %swap3A_262 = vector.shape_cast %max3A_251 : vector<16xf32> to vector<16xf32>
    tpu.vector_store %arg9[%swap3A_259], %swap3A_262 {strides = array<i32>} : memref<32xf32, #tpu.memory_space<vmem>>, vector<16xf32>,
    %get3A_263 = arith.constant 8 : index
    %get3A_264 = tpu.vector_load %arg9[%get3A_263] {strides = array<i32>} : memref<32xf32, #tpu.memory_space<vmem>>, vector<16xf32>,
    %get3A_265 = vector.shape_cast %get3A_264 : vector<16xf32> to vector<16xf32>
    %max3A_266 = arith.maximumf %max3A_251, %get3A_265 : vector<16xf32>
    %swap3A_267 = arith.constant 0 : index
    %swap3A_268 = tpu.vector_load %arg9[%swap3A_267] {strides = array<i32>} : memref<32xf32, #tpu.memory_space<vmem>>, vector<16xf32>,
    %swap3A_269 = vector.shape_cast %swap3A_268 : vector<16xf32> to vector<16xf32>
    %swap3A_270 = vector.shape_cast %max3A_266 : vector<16xf32> to vector<16xf32>
    tpu.vector_store %arg9[%swap3A_267], %swap3A_270 {strides = array<i32>} : memref<32xf32, #tpu.memory_space<vmem>>, vector<16xf32>,
    %get3A_271 = arith.constant 4 : index
    %get3A_272 = tpu.vector_load %arg9[%get3A_271] {strides = array<i32>} : memref<32xf32, #tpu.memory_space<vmem>>, vector<16xf32>,
    %get3A_273 = vector.shape_cast %get3A_272 : vector<16xf32> to vector<16xf32>
    %max3A_274 = arith.maximumf %max3A_266, %get3A_273 : vector<16xf32>
    %swap3A_275 = arith.constant 0 : index
    %swap3A_276 = tpu.vector_load %arg9[%swap3A_275] {strides = array<i32>} : memref<32xf32, #tpu.memory_space<vmem>>, vector<16xf32>,
    %swap3A_277 = vector.shape_cast %swap3A_276 : vector<16xf32> to vector<16xf32>
    %swap3A_278 = vector.shape_cast %max3A_274 : vector<16xf32> to vector<16xf32>
    tpu.vector_store %arg9[%swap3A_275], %swap3A_278 {strides = array<i32>} : memref<32xf32, #tpu.memory_space<vmem>>, vector<16xf32>,
    %get3A_279 = arith.constant 2 : index
    %get3A_280 = tpu.vector_load %arg9[%get3A_279] {strides = array<i32>} : memref<32xf32, #tpu.memory_space<vmem>>, vector<16xf32>,
    %get3A_281 = vector.shape_cast %get3A_280 : vector<16xf32> to vector<16xf32>
    %max3A_282 = arith.maximumf %max3A_274, %get3A_281 : vector<16xf32>
    %swap3A_283 = arith.constant 0 : index
    %swap3A_284 = tpu.vector_load %arg9[%swap3A_283] {strides = array<i32>} : memref<32xf32, #tpu.memory_space<vmem>>, vector<16xf32>,
    %swap3A_285 = vector.shape_cast %swap3A_284 : vector<16xf32> to vector<16xf32>
    %swap3A_286 = vector.shape_cast %max3A_282 : vector<16xf32> to vector<16xf32>
    tpu.vector_store %arg9[%swap3A_283], %swap3A_286 {strides = array<i32>} : memref<32xf32, #tpu.memory_space<vmem>>, vector<16xf32>,
    %get3A_287 = arith.constant 1 : index
    %get3A_288 = tpu.vector_load %arg9[%get3A_287] {strides = array<i32>} : memref<32xf32, #tpu.memory_space<vmem>>, vector<16xf32>,
    %get3A_289 = vector.shape_cast %get3A_288 : vector<16xf32> to vector<16xf32>
    %max3A_290 = arith.maximumf %max3A_282, %get3A_289 : vector<16xf32>
    %slice3A_291 = vector.extract_strided_slice %max3A_290 {offsets = [0], sizes = [1], strides = [1]} : vector<16xf32> to vector<1xf32>
    %squeeze3A_292 = vector.extract %slice3A_291[0] : f32 from vector<1xf32>
    %broadcast_in_dim3A_293 = vector.broadcast %squeeze3A_292 : f32 to vector<16xf32>
    %broadcast_in_dim3A_294 = arith.constant 0.000000e+00 : f32
    %broadcast_in_dim3A_295 = vector.broadcast %broadcast_in_dim3A_294 : f32 to vector<16xf32>
    %swap3A_296 = arith.constant 16 : index
    %swap3A_297 = tpu.vector_load %arg9[%swap3A_296] {strides = array<i32>} : memref<32xf32, #tpu.memory_space<vmem>>, vector<16xf32>,
    %swap3A_298 = vector.shape_cast %swap3A_297 : vector<16xf32> to vector<16xf32>
    %swap3A_299 = vector.shape_cast %broadcast_in_dim3A_295 : vector<16xf32> to vector<16xf32>
    tpu.vector_store %arg9[%swap3A_296], %swap3A_299 {strides = array<i32>} : memref<32xf32, #tpu.memory_space<vmem>>, vector<16xf32>,
    %swap3A_300 = arith.constant 0 : index
    %swap3A_301 = tpu.vector_load %arg9[%swap3A_300] {strides = array<i32>} : memref<32xf32, #tpu.memory_space<vmem>>, vector<16xf32>,
    %swap3A_302 = vector.shape_cast %swap3A_301 : vector<16xf32> to vector<16xf32>
    %swap3A_303 = vector.shape_cast %add3A_252 : vector<16xf32> to vector<16xf32>
    tpu.vector_store %arg9[%swap3A_300], %swap3A_303 {strides = array<i32>} : memref<32xf32, #tpu.memory_space<vmem>>, vector<16xf32>,
    %get3A_304 = arith.constant 8 : index
    %get3A_305 = tpu.vector_load %arg9[%get3A_304] {strides = array<i32>} : memref<32xf32, #tpu.memory_space<vmem>>, vector<16xf32>,
    %get3A_306 = vector.shape_cast %get3A_305 : vector<16xf32> to vector<16xf32>
    %add3A_307 = arith.addf %add3A_252, %get3A_306 : vector<16xf32>
    %swap3A_308 = arith.constant 0 : index
    %swap3A_309 = tpu.vector_load %arg9[%swap3A_308] {strides = array<i32>} : memref<32xf32, #tpu.memory_space<vmem>>, vector<16xf32>,
    %swap3A_310 = vector.shape_cast %swap3A_309 : vector<16xf32> to vector<16xf32>
    %swap3A_311 = vector.shape_cast %add3A_307 : vector<16xf32> to vector<16xf32>
    tpu.vector_store %arg9[%swap3A_308], %swap3A_311 {strides = array<i32>} : memref<32xf32, #tpu.memory_space<vmem>>, vector<16xf32>,
    %get3A_312 = arith.constant 4 : index
    %get3A_313 = tpu.vector_load %arg9[%get3A_312] {strides = array<i32>} : memref<32xf32, #tpu.memory_space<vmem>>, vector<16xf32>,
    %get3A_314 = vector.shape_cast %get3A_313 : vector<16xf32> to vector<16xf32>
    %add3A_315 = arith.addf %add3A_307, %get3A_314 : vector<16xf32>
    %swap3A_316 = arith.constant 0 : index
    %swap3A_317 = tpu.vector_load %arg9[%swap3A_316] {strides = array<i32>} : memref<32xf32, #tpu.memory_space<vmem>>, vector<16xf32>,
    %swap3A_318 = vector.shape_cast %swap3A_317 : vector<16xf32> to vector<16xf32>
    %swap3A_319 = vector.shape_cast %add3A_315 : vector<16xf32> to vector<16xf32>
    tpu.vector_store %arg9[%swap3A_316], %swap3A_319 {strides = array<i32>} : memref<32xf32, #tpu.memory_space<vmem>>, vector<16xf32>,
    %get3A_320 = arith.constant 2 : index
    %get3A_321 = tpu.vector_load %arg9[%get3A_320] {strides = array<i32>} : memref<32xf32, #tpu.memory_space<vmem>>, vector<16xf32>,
    %get3A_322 = vector.shape_cast %get3A_321 : vector<16xf32> to vector<16xf32>
    %add3A_323 = arith.addf %add3A_315, %get3A_322 : vector<16xf32>
    %swap3A_324 = arith.constant 0 : index
    %swap3A_325 = tpu.vector_load %arg9[%swap3A_324] {strides = array<i32>} : memref<32xf32, #tpu.memory_space<vmem>>, vector<16xf32>,
    %swap3A_326 = vector.shape_cast %swap3A_325 : vector<16xf32> to vector<16xf32>
    %swap3A_327 = vector.shape_cast %add3A_323 : vector<16xf32> to vector<16xf32>
    tpu.vector_store %arg9[%swap3A_324], %swap3A_327 {strides = array<i32>} : memref<32xf32, #tpu.memory_space<vmem>>, vector<16xf32>,
    %get3A_328 = arith.constant 1 : index
    %get3A_329 = tpu.vector_load %arg9[%get3A_328] {strides = array<i32>} : memref<32xf32, #tpu.memory_space<vmem>>, vector<16xf32>,
    %get3A_330 = vector.shape_cast %get3A_329 : vector<16xf32> to vector<16xf32>
    %add3A_331 = arith.addf %add3A_323, %get3A_330 : vector<16xf32>
    %slice3A_332 = vector.extract_strided_slice %add3A_331 {offsets = [0], sizes = [1], strides = [1]} : vector<16xf32> to vector<1xf32>
    %squeeze3A_333 = vector.extract %slice3A_332[0] : f32 from vector<1xf32>
    %ge3A = arith.constant 0 : i32
    %ge3A_334 = arith.cmpi sge, %squeeze3A_243, %ge3A : i32
    %jit3A_335 = arith.constant 1.000000e+00 : f32
    %jit3A_336 = arith.constant 0.000000e+00 : f32
    %select_n3A_337 = arith.select %ge3A_334, %jit3A_335, %jit3A_336 : f32
    %sub3A_338 = arith.subf %squeeze3A_333, %select_n3A_337 : f32
    %ge3A_339 = arith.constant 1.638300e+04 : f32
    %ge3A_340 = arith.cmpf oge, %sub3A_338, %ge3A_339 : f32
    %jit3A_341 = arith.constant 0 : i32
    %jit3A_342 = arith.constant -2147483648 : i32
    %select_n3A_343 = arith.select %ge3A_340, %jit3A_341, %jit3A_342 : i32
    %jit3A_344 = arith.constant 3.276700e+04 : f32
    %select_n3A_345 = arith.select %ge3A_340, %sub3A_338, %jit3A_344 : f32
    %scan3A_346 = arith.constant 1 : i32
    %scan3A_347 = arith.constant 31 : i32
    %scan3A_348 = arith.addi %scan3A_346, %scan3A_347 : i32
    %scan3A_349 = arith.constant 1 : i32
    %scan3A_350:2 = scf.for %scan3A_448 = %scan3A_346 to %scan3A_348 step %scan3A_349 iter_args(%scan3A_449 = %select_n3A_343, %scan3A_450 = %select_n3A_345) -> (i32, f32)  : i32 {
      %sub3A_451 = arith.constant 31 : i32
      %sub3A_452 = arith.subi %sub3A_451, %scan3A_448 : i32
      %shift_left3A = arith.constant 1 : i32
      %shift_left3A_453 = arith.shli %shift_left3A, %sub3A_452 : i32
      %or3A = arith.ori %scan3A_449, %shift_left3A_453 : i32
      %broadcast_in_dim3A_454 = vector.broadcast %or3A : i32 to vector<16xi32>
      %scan3A_455 = arith.constant 0 : i32
      %scan3A_456 = arith.constant 256 : i32
      %scan3A_457 = arith.addi %scan3A_455, %scan3A_456 : i32
      %scan3A_458 = arith.constant 1 : i32
      %scan3A_459:4 = scf.for %scan3A_513 = %scan3A_455 to %scan3A_457 step %scan3A_458 iter_args(%scan3A_514 = %broadcast_in_dim3A_1, %scan3A_515 = %broadcast_in_dim3A_1, %scan3A_516 = %broadcast_in_dim3A_1, %scan3A_517 = %broadcast_in_dim3A_1) -> (vector<16xf32>, vector<16xf32>, vector<16xf32>, vector<16xf32>)  : i32 {
        %mul3A_518 = arith.constant 128 : i32
        %mul3A_519 = arith.muli %scan3A_513, %mul3A_518 : i32
        %add3A_520 = arith.constant 0 : i32
        %add3A_521 = arith.addi %mul3A_519, %add3A_520 : i32
        %get3A_522 = arith.index_cast %add3A_521 : i32 to index
        %get3A_523 = tpu.vector_load %arg6[%get3A_522] {strides = array<i32>} : memref<32768xi32, #tpu.memory_space<vmem>>, vector<16xi32>,
        %get3A_524 = vector.shape_cast %get3A_523 : vector<16xi32> to vector<16xi32>
        %add3A_525 = arith.constant 16 : i32
        %add3A_526 = arith.addi %add3A_521, %add3A_525 : i32
        %get3A_527 = arith.index_cast %add3A_526 : i32 to index
        %get3A_528 = tpu.vector_load %arg6[%get3A_527] {strides = array<i32>} : memref<32768xi32, #tpu.memory_space<vmem>>, vector<16xi32>,
        %get3A_529 = vector.shape_cast %get3A_528 : vector<16xi32> to vector<16xi32>
        %add3A_530 = arith.constant 32 : i32
        %add3A_531 = arith.addi %add3A_521, %add3A_530 : i32
        %get3A_532 = arith.index_cast %add3A_531 : i32 to index
        %get3A_533 = tpu.vector_load %arg6[%get3A_532] {strides = array<i32>} : memref<32768xi32, #tpu.memory_space<vmem>>, vector<16xi32>,
        %get3A_534 = vector.shape_cast %get3A_533 : vector<16xi32> to vector<16xi32>
        %add3A_535 = arith.constant 48 : i32
        %add3A_536 = arith.addi %add3A_521, %add3A_535 : i32
        %get3A_537 = arith.index_cast %add3A_536 : i32 to index
        %get3A_538 = tpu.vector_load %arg6[%get3A_537] {strides = array<i32>} : memref<32768xi32, #tpu.memory_space<vmem>>, vector<16xi32>,
        %get3A_539 = vector.shape_cast %get3A_538 : vector<16xi32> to vector<16xi32>
        %ge3A_540 = arith.cmpi sge, %get3A_524, %broadcast_in_dim3A_454 : vector<16xi32>
        %select_n3A_541 = arith.select %ge3A_540, %broadcast_in_dim3A_3, %broadcast_in_dim3A_1 : vector<16xi1>, vector<16xf32>
        %add3A_542 = arith.addf %scan3A_514, %select_n3A_541 : vector<16xf32>
        %ge3A_543 = arith.cmpi sge, %get3A_529, %broadcast_in_dim3A_454 : vector<16xi32>
        %select_n3A_544 = arith.select %ge3A_543, %broadcast_in_dim3A_3, %broadcast_in_dim3A_1 : vector<16xi1>, vector<16xf32>
        %add3A_545 = arith.addf %scan3A_515, %select_n3A_544 : vector<16xf32>
        %ge3A_546 = arith.cmpi sge, %get3A_534, %broadcast_in_dim3A_454 : vector<16xi32>
        %select_n3A_547 = arith.select %ge3A_546, %broadcast_in_dim3A_3, %broadcast_in_dim3A_1 : vector<16xi1>, vector<16xf32>
        %add3A_548 = arith.addf %scan3A_516, %select_n3A_547 : vector<16xf32>
        %ge3A_549 = arith.cmpi sge, %get3A_539, %broadcast_in_dim3A_454 : vector<16xi32>
        %select_n3A_550 = arith.select %ge3A_549, %broadcast_in_dim3A_3, %broadcast_in_dim3A_1 : vector<16xi1>, vector<16xf32>
        %add3A_551 = arith.addf %scan3A_517, %select_n3A_550 : vector<16xf32>
        %mul3A_552 = arith.constant 128 : i32
        %mul3A_553 = arith.muli %scan3A_513, %mul3A_552 : i32
        %add3A_554 = arith.constant 64 : i32
        %add3A_555 = arith.addi %mul3A_553, %add3A_554 : i32
        %get3A_556 = arith.index_cast %add3A_555 : i32 to index
        %get3A_557 = tpu.vector_load %arg6[%get3A_556] {strides = array<i32>} : memref<32768xi32, #tpu.memory_space<vmem>>, vector<16xi32>,
        %get3A_558 = vector.shape_cast %get3A_557 : vector<16xi32> to vector<16xi32>
        %add3A_559 = arith.constant 16 : i32
        %add3A_560 = arith.addi %add3A_555, %add3A_559 : i32
        %get3A_561 = arith.index_cast %add3A_560 : i32 to index
        %get3A_562 = tpu.vector_load %arg6[%get3A_561] {strides = array<i32>} : memref<32768xi32, #tpu.memory_space<vmem>>, vector<16xi32>,
        %get3A_563 = vector.shape_cast %get3A_562 : vector<16xi32> to vector<16xi32>
        %add3A_564 = arith.constant 32 : i32
        %add3A_565 = arith.addi %add3A_555, %add3A_564 : i32
        %get3A_566 = arith.index_cast %add3A_565 : i32 to index
        %get3A_567 = tpu.vector_load %arg6[%get3A_566] {strides = array<i32>} : memref<32768xi32, #tpu.memory_space<vmem>>, vector<16xi32>,
        %get3A_568 = vector.shape_cast %get3A_567 : vector<16xi32> to vector<16xi32>
        %add3A_569 = arith.constant 48 : i32
        %add3A_570 = arith.addi %add3A_555, %add3A_569 : i32
        %get3A_571 = arith.index_cast %add3A_570 : i32 to index
        %get3A_572 = tpu.vector_load %arg6[%get3A_571] {strides = array<i32>} : memref<32768xi32, #tpu.memory_space<vmem>>, vector<16xi32>,
        %get3A_573 = vector.shape_cast %get3A_572 : vector<16xi32> to vector<16xi32>
        %ge3A_574 = arith.cmpi sge, %get3A_558, %broadcast_in_dim3A_454 : vector<16xi32>
        %select_n3A_575 = arith.select %ge3A_574, %broadcast_in_dim3A_3, %broadcast_in_dim3A_1 : vector<16xi1>, vector<16xf32>
        %add3A_576 = arith.addf %add3A_542, %select_n3A_575 : vector<16xf32>
        %ge3A_577 = arith.cmpi sge, %get3A_563, %broadcast_in_dim3A_454 : vector<16xi32>
        %select_n3A_578 = arith.select %ge3A_577, %broadcast_in_dim3A_3, %broadcast_in_dim3A_1 : vector<16xi1>, vector<16xf32>
        %add3A_579 = arith.addf %add3A_545, %select_n3A_578 : vector<16xf32>
        %ge3A_580 = arith.cmpi sge, %get3A_568, %broadcast_in_dim3A_454 : vector<16xi32>
        %select_n3A_581 = arith.select %ge3A_580, %broadcast_in_dim3A_3, %broadcast_in_dim3A_1 : vector<16xi1>, vector<16xf32>
        %add3A_582 = arith.addf %add3A_548, %select_n3A_581 : vector<16xf32>
        %ge3A_583 = arith.cmpi sge, %get3A_573, %broadcast_in_dim3A_454 : vector<16xi32>
        %select_n3A_584 = arith.select %ge3A_583, %broadcast_in_dim3A_3, %broadcast_in_dim3A_1 : vector<16xi1>, vector<16xf32>
        %add3A_585 = arith.addf %add3A_551, %select_n3A_584 : vector<16xf32>
        scf.yield %add3A_576, %add3A_579, %add3A_582, %add3A_585 : vector<16xf32>, vector<16xf32>, vector<16xf32>, vector<16xf32>
      }
      %scan3A_460 = arith.constant 256 : i32
      %add3A_461 = arith.addf %scan3A_459#0, %scan3A_459#1 : vector<16xf32>
      %add3A_462 = arith.addf %scan3A_459#2, %scan3A_459#3 : vector<16xf32>
      %add3A_463 = arith.addf %add3A_461, %add3A_462 : vector<16xf32>
      %broadcast_in_dim3A_464 = arith.constant 0.000000e+00 : f32
      %broadcast_in_dim3A_465 = vector.broadcast %broadcast_in_dim3A_464 : f32 to vector<16xf32>
      %swap3A_466 = arith.constant 16 : index
      %swap3A_467 = tpu.vector_load %arg9[%swap3A_466] {strides = array<i32>} : memref<32xf32, #tpu.memory_space<vmem>>, vector<16xf32>,
      %swap3A_468 = vector.shape_cast %swap3A_467 : vector<16xf32> to vector<16xf32>
      %swap3A_469 = vector.shape_cast %broadcast_in_dim3A_465 : vector<16xf32> to vector<16xf32>
      tpu.vector_store %arg9[%swap3A_466], %swap3A_469 {strides = array<i32>} : memref<32xf32, #tpu.memory_space<vmem>>, vector<16xf32>,
      %swap3A_470 = arith.constant 0 : index
      %swap3A_471 = tpu.vector_load %arg9[%swap3A_470] {strides = array<i32>} : memref<32xf32, #tpu.memory_space<vmem>>, vector<16xf32>,
      %swap3A_472 = vector.shape_cast %swap3A_471 : vector<16xf32> to vector<16xf32>
      %swap3A_473 = vector.shape_cast %add3A_463 : vector<16xf32> to vector<16xf32>
      tpu.vector_store %arg9[%swap3A_470], %swap3A_473 {strides = array<i32>} : memref<32xf32, #tpu.memory_space<vmem>>, vector<16xf32>,
      %get3A_474 = arith.constant 8 : index
      %get3A_475 = tpu.vector_load %arg9[%get3A_474] {strides = array<i32>} : memref<32xf32, #tpu.memory_space<vmem>>, vector<16xf32>,
      %get3A_476 = vector.shape_cast %get3A_475 : vector<16xf32> to vector<16xf32>
      %add3A_477 = arith.addf %add3A_463, %get3A_476 : vector<16xf32>
      %swap3A_478 = arith.constant 0 : index
      %swap3A_479 = tpu.vector_load %arg9[%swap3A_478] {strides = array<i32>} : memref<32xf32, #tpu.memory_space<vmem>>, vector<16xf32>,
      %swap3A_480 = vector.shape_cast %swap3A_479 : vector<16xf32> to vector<16xf32>
      %swap3A_481 = vector.shape_cast %add3A_477 : vector<16xf32> to vector<16xf32>
      tpu.vector_store %arg9[%swap3A_478], %swap3A_481 {strides = array<i32>} : memref<32xf32, #tpu.memory_space<vmem>>, vector<16xf32>,
      %get3A_482 = arith.constant 4 : index
      %get3A_483 = tpu.vector_load %arg9[%get3A_482] {strides = array<i32>} : memref<32xf32, #tpu.memory_space<vmem>>, vector<16xf32>,
      %get3A_484 = vector.shape_cast %get3A_483 : vector<16xf32> to vector<16xf32>
      %add3A_485 = arith.addf %add3A_477, %get3A_484 : vector<16xf32>
      %swap3A_486 = arith.constant 0 : index
      %swap3A_487 = tpu.vector_load %arg9[%swap3A_486] {strides = array<i32>} : memref<32xf32, #tpu.memory_space<vmem>>, vector<16xf32>,
      %swap3A_488 = vector.shape_cast %swap3A_487 : vector<16xf32> to vector<16xf32>
      %swap3A_489 = vector.shape_cast %add3A_485 : vector<16xf32> to vector<16xf32>
      tpu.vector_store %arg9[%swap3A_486], %swap3A_489 {strides = array<i32>} : memref<32xf32, #tpu.memory_space<vmem>>, vector<16xf32>,
      %get3A_490 = arith.constant 2 : index
      %get3A_491 = tpu.vector_load %arg9[%get3A_490] {strides = array<i32>} : memref<32xf32, #tpu.memory_space<vmem>>, vector<16xf32>,
      %get3A_492 = vector.shape_cast %get3A_491 : vector<16xf32> to vector<16xf32>
      %add3A_493 = arith.addf %add3A_485, %get3A_492 : vector<16xf32>
      %swap3A_494 = arith.constant 0 : index
      %swap3A_495 = tpu.vector_load %arg9[%swap3A_494] {strides = array<i32>} : memref<32xf32, #tpu.memory_space<vmem>>, vector<16xf32>,
      %swap3A_496 = vector.shape_cast %swap3A_495 : vector<16xf32> to vector<16xf32>
      %swap3A_497 = vector.shape_cast %add3A_493 : vector<16xf32> to vector<16xf32>
      tpu.vector_store %arg9[%swap3A_494], %swap3A_497 {strides = array<i32>} : memref<32xf32, #tpu.memory_space<vmem>>, vector<16xf32>,
      %get3A_498 = arith.constant 1 : index
      %get3A_499 = tpu.vector_load %arg9[%get3A_498] {strides = array<i32>} : memref<32xf32, #tpu.memory_space<vmem>>, vector<16xf32>,
      %get3A_500 = vector.shape_cast %get3A_499 : vector<16xf32> to vector<16xf32>
      %add3A_501 = arith.addf %add3A_493, %get3A_500 : vector<16xf32>
      %slice3A_502 = vector.extract_strided_slice %add3A_501 {offsets = [0], sizes = [1], strides = [1]} : vector<16xf32> to vector<1xf32>
      %squeeze3A_503 = vector.extract %slice3A_502[0] : f32 from vector<1xf32>
      %ge3A_504 = arith.cmpi sge, %squeeze3A_243, %or3A : i32
      %jit3A_505 = arith.constant 1.000000e+00 : f32
      %jit3A_506 = arith.constant 0.000000e+00 : f32
      %select_n3A_507 = arith.select %ge3A_504, %jit3A_505, %jit3A_506 : f32
      %sub3A_508 = arith.subf %squeeze3A_503, %select_n3A_507 : f32
      %ge3A_509 = arith.constant 1.638300e+04 : f32
      %ge3A_510 = arith.cmpf oge, %sub3A_508, %ge3A_509 : f32
      %select_n3A_511 = arith.select %ge3A_510, %or3A, %scan3A_449 : i32
      %select_n3A_512 = arith.select %ge3A_510, %sub3A_508, %scan3A_450 : f32
      scf.yield %select_n3A_511, %select_n3A_512 : i32, f32
    }
    %scan3A_351 = arith.constant 31 : i32
    %broadcast_in_dim3A_352 = vector.broadcast %scan3A_350#0 : i32 to vector<16xi32>
    %shift_right_arithmetic3A_353 = arith.constant 31 : i32
    %shift_right_arithmetic3A_354 = vector.broadcast %shift_right_arithmetic3A_353 : i32 to vector<16xi32>
    %shift_right_arithmetic3A_355 = arith.shrsi %broadcast_in_dim3A_352, %shift_right_arithmetic3A_354 : vector<16xi32>
    %and3A_356 = arith.constant 2147483647 : i32
    %and3A_357 = vector.broadcast %and3A_356 : i32 to vector<16xi32>
    %and3A_358 = arith.andi %shift_right_arithmetic3A_355, %and3A_357 : vector<16xi32>
    %xor3A_359 = arith.xori %broadcast_in_dim3A_352, %and3A_358 : vector<16xi32>
    %bitcast_convert_type3A_360 = tpu.bitcast %xor3A_359 : vector<16xi32> -> vector<16xf32>
    %scan3A_361 = arith.constant 0 : i32
    %scan3A_362 = arith.constant 256 : i32
    %scan3A_363 = arith.addi %scan3A_361, %scan3A_362 : i32
    %scan3A_364 = arith.constant 1 : i32
    %scan3A_365:2 = scf.for %scan3A_448 = %scan3A_361 to %scan3A_363 step %scan3A_364 iter_args(%scan3A_449 = %broadcast_in_dim3A_1, %scan3A_450 = %broadcast_in_dim3A_1) -> (vector<16xf32>, vector<16xf32>)  : i32 {
      %mul3A_451 = arith.constant 128 : i32
      %mul3A_452 = arith.muli %scan3A_448, %mul3A_451 : i32
      %add3A_453 = arith.constant 0 : i32
      %add3A_454 = arith.addi %mul3A_452, %add3A_453 : i32
      %get3A_455 = arith.index_cast %add3A_454 : i32 to index
      %get3A_456 = tpu.vector_load %arg5[%get3A_455] {strides = array<i32>} : memref<32768xf32, #tpu.memory_space<vmem>>, vector<16xf32>,
      %get3A_457 = vector.shape_cast %get3A_456 : vector<16xf32> to vector<16xf32>
      %add3A_458 = arith.constant 16 : i32
      %add3A_459 = arith.addi %add3A_454, %add3A_458 : i32
      %get3A_460 = arith.index_cast %add3A_459 : i32 to index
      %get3A_461 = tpu.vector_load %arg5[%get3A_460] {strides = array<i32>} : memref<32768xf32, #tpu.memory_space<vmem>>, vector<16xf32>,
      %get3A_462 = vector.shape_cast %get3A_461 : vector<16xf32> to vector<16xf32>
      %sub3A_463 = arith.subf %get3A_457, %broadcast_in_dim3A_293 : vector<16xf32>
      %mul3A_464 = arith.constant 1.000000e+01 : f32
      %mul3A_465 = vector.broadcast %mul3A_464 : f32 to vector<16xf32>
      %mul3A_466 = arith.mulf %sub3A_463, %mul3A_465 : vector<16xf32>
      %exp3A_467 = math.exp %mul3A_466 : vector<16xf32>
      %sub3A_468 = arith.subf %get3A_462, %broadcast_in_dim3A_293 : vector<16xf32>
      %mul3A_469 = arith.constant 1.000000e+01 : f32
      %mul3A_470 = vector.broadcast %mul3A_469 : f32 to vector<16xf32>
      %mul3A_471 = arith.mulf %sub3A_468, %mul3A_470 : vector<16xf32>
      %exp3A_472 = math.exp %mul3A_471 : vector<16xf32>
      %ge3A_473 = arith.cmpf oge, %get3A_457, %bitcast_convert_type3A_360 : vector<16xf32>
      %select_n3A_474 = arith.select %ge3A_473, %exp3A_467, %broadcast_in_dim3A_1 : vector<16xi1>, vector<16xf32>
      %add3A_475 = arith.addf %scan3A_449, %select_n3A_474 : vector<16xf32>
      %ge3A_476 = arith.cmpf oge, %get3A_462, %bitcast_convert_type3A_360 : vector<16xf32>
      %select_n3A_477 = arith.select %ge3A_476, %exp3A_472, %broadcast_in_dim3A_1 : vector<16xi1>, vector<16xf32>
      %add3A_478 = arith.addf %scan3A_450, %select_n3A_477 : vector<16xf32>
      %mul3A_479 = arith.constant 128 : i32
      %mul3A_480 = arith.muli %scan3A_448, %mul3A_479 : i32
      %add3A_481 = arith.constant 32 : i32
      %add3A_482 = arith.addi %mul3A_480, %add3A_481 : i32
      %get3A_483 = arith.index_cast %add3A_482 : i32 to index
      %get3A_484 = tpu.vector_load %arg5[%get3A_483] {strides = array<i32>} : memref<32768xf32, #tpu.memory_space<vmem>>, vector<16xf32>,
      %get3A_485 = vector.shape_cast %get3A_484 : vector<16xf32> to vector<16xf32>
      %add3A_486 = arith.constant 16 : i32
      %add3A_487 = arith.addi %add3A_482, %add3A_486 : i32
      %get3A_488 = arith.index_cast %add3A_487 : i32 to index
      %get3A_489 = tpu.vector_load %arg5[%get3A_488] {strides = array<i32>} : memref<32768xf32, #tpu.memory_space<vmem>>, vector<16xf32>,
      %get3A_490 = vector.shape_cast %get3A_489 : vector<16xf32> to vector<16xf32>
      %sub3A_491 = arith.subf %get3A_485, %broadcast_in_dim3A_293 : vector<16xf32>
      %mul3A_492 = arith.constant 1.000000e+01 : f32
      %mul3A_493 = vector.broadcast %mul3A_492 : f32 to vector<16xf32>
      %mul3A_494 = arith.mulf %sub3A_491, %mul3A_493 : vector<16xf32>
      %exp3A_495 = math.exp %mul3A_494 : vector<16xf32>
      %sub3A_496 = arith.subf %get3A_490, %broadcast_in_dim3A_293 : vector<16xf32>
      %mul3A_497 = arith.constant 1.000000e+01 : f32
      %mul3A_498 = vector.broadcast %mul3A_497 : f32 to vector<16xf32>
      %mul3A_499 = arith.mulf %sub3A_496, %mul3A_498 : vector<16xf32>
      %exp3A_500 = math.exp %mul3A_499 : vector<16xf32>
      %ge3A_501 = arith.cmpf oge, %get3A_485, %bitcast_convert_type3A_360 : vector<16xf32>
      %select_n3A_502 = arith.select %ge3A_501, %exp3A_495, %broadcast_in_dim3A_1 : vector<16xi1>, vector<16xf32>
      %add3A_503 = arith.addf %add3A_475, %select_n3A_502 : vector<16xf32>
      %ge3A_504 = arith.cmpf oge, %get3A_490, %bitcast_convert_type3A_360 : vector<16xf32>
      %select_n3A_505 = arith.select %ge3A_504, %exp3A_500, %broadcast_in_dim3A_1 : vector<16xi1>, vector<16xf32>
      %add3A_506 = arith.addf %add3A_478, %select_n3A_505 : vector<16xf32>
      %mul3A_507 = arith.constant 128 : i32
      %mul3A_508 = arith.muli %scan3A_448, %mul3A_507 : i32
      %add3A_509 = arith.constant 64 : i32
      %add3A_510 = arith.addi %mul3A_508, %add3A_509 : i32
      %get3A_511 = arith.index_cast %add3A_510 : i32 to index
      %get3A_512 = tpu.vector_load %arg5[%get3A_511] {strides = array<i32>} : memref<32768xf32, #tpu.memory_space<vmem>>, vector<16xf32>,
      %get3A_513 = vector.shape_cast %get3A_512 : vector<16xf32> to vector<16xf32>
      %add3A_514 = arith.constant 16 : i32
      %add3A_515 = arith.addi %add3A_510, %add3A_514 : i32
      %get3A_516 = arith.index_cast %add3A_515 : i32 to index
      %get3A_517 = tpu.vector_load %arg5[%get3A_516] {strides = array<i32>} : memref<32768xf32, #tpu.memory_space<vmem>>, vector<16xf32>,
      %get3A_518 = vector.shape_cast %get3A_517 : vector<16xf32> to vector<16xf32>
      %sub3A_519 = arith.subf %get3A_513, %broadcast_in_dim3A_293 : vector<16xf32>
      %mul3A_520 = arith.constant 1.000000e+01 : f32
      %mul3A_521 = vector.broadcast %mul3A_520 : f32 to vector<16xf32>
      %mul3A_522 = arith.mulf %sub3A_519, %mul3A_521 : vector<16xf32>
      %exp3A_523 = math.exp %mul3A_522 : vector<16xf32>
      %sub3A_524 = arith.subf %get3A_518, %broadcast_in_dim3A_293 : vector<16xf32>
      %mul3A_525 = arith.constant 1.000000e+01 : f32
      %mul3A_526 = vector.broadcast %mul3A_525 : f32 to vector<16xf32>
      %mul3A_527 = arith.mulf %sub3A_524, %mul3A_526 : vector<16xf32>
      %exp3A_528 = math.exp %mul3A_527 : vector<16xf32>
      %ge3A_529 = arith.cmpf oge, %get3A_513, %bitcast_convert_type3A_360 : vector<16xf32>
      %select_n3A_530 = arith.select %ge3A_529, %exp3A_523, %broadcast_in_dim3A_1 : vector<16xi1>, vector<16xf32>
      %add3A_531 = arith.addf %add3A_503, %select_n3A_530 : vector<16xf32>
      %ge3A_532 = arith.cmpf oge, %get3A_518, %bitcast_convert_type3A_360 : vector<16xf32>
      %select_n3A_533 = arith.select %ge3A_532, %exp3A_528, %broadcast_in_dim3A_1 : vector<16xi1>, vector<16xf32>
      %add3A_534 = arith.addf %add3A_506, %select_n3A_533 : vector<16xf32>
      %mul3A_535 = arith.constant 128 : i32
      %mul3A_536 = arith.muli %scan3A_448, %mul3A_535 : i32
      %add3A_537 = arith.constant 96 : i32
      %add3A_538 = arith.addi %mul3A_536, %add3A_537 : i32
      %get3A_539 = arith.index_cast %add3A_538 : i32 to index
      %get3A_540 = tpu.vector_load %arg5[%get3A_539] {strides = array<i32>} : memref<32768xf32, #tpu.memory_space<vmem>>, vector<16xf32>,
      %get3A_541 = vector.shape_cast %get3A_540 : vector<16xf32> to vector<16xf32>
      %add3A_542 = arith.constant 16 : i32
      %add3A_543 = arith.addi %add3A_538, %add3A_542 : i32
      %get3A_544 = arith.index_cast %add3A_543 : i32 to index
      %get3A_545 = tpu.vector_load %arg5[%get3A_544] {strides = array<i32>} : memref<32768xf32, #tpu.memory_space<vmem>>, vector<16xf32>,
      %get3A_546 = vector.shape_cast %get3A_545 : vector<16xf32> to vector<16xf32>
      %sub3A_547 = arith.subf %get3A_541, %broadcast_in_dim3A_293 : vector<16xf32>
      %mul3A_548 = arith.constant 1.000000e+01 : f32
      %mul3A_549 = vector.broadcast %mul3A_548 : f32 to vector<16xf32>
      %mul3A_550 = arith.mulf %sub3A_547, %mul3A_549 : vector<16xf32>
      %exp3A_551 = math.exp %mul3A_550 : vector<16xf32>
      %sub3A_552 = arith.subf %get3A_546, %broadcast_in_dim3A_293 : vector<16xf32>
      %mul3A_553 = arith.constant 1.000000e+01 : f32
      %mul3A_554 = vector.broadcast %mul3A_553 : f32 to vector<16xf32>
      %mul3A_555 = arith.mulf %sub3A_552, %mul3A_554 : vector<16xf32>
      %exp3A_556 = math.exp %mul3A_555 : vector<16xf32>
      %ge3A_557 = arith.cmpf oge, %get3A_541, %bitcast_convert_type3A_360 : vector<16xf32>
      %select_n3A_558 = arith.select %ge3A_557, %exp3A_551, %broadcast_in_dim3A_1 : vector<16xi1>, vector<16xf32>
      %add3A_559 = arith.addf %add3A_531, %select_n3A_558 : vector<16xf32>
      %ge3A_560 = arith.cmpf oge, %get3A_546, %bitcast_convert_type3A_360 : vector<16xf32>
      %select_n3A_561 = arith.select %ge3A_560, %exp3A_556, %broadcast_in_dim3A_1 : vector<16xi1>, vector<16xf32>
      %add3A_562 = arith.addf %add3A_534, %select_n3A_561 : vector<16xf32>
      scf.yield %add3A_559, %add3A_562 : vector<16xf32>, vector<16xf32>
    }
    %scan3A_366 = arith.constant 256 : i32
    %add3A_367 = arith.addf %scan3A_365#0, %scan3A_365#1 : vector<16xf32>
    %broadcast_in_dim3A_368 = arith.constant 0.000000e+00 : f32
    %broadcast_in_dim3A_369 = vector.broadcast %broadcast_in_dim3A_368 : f32 to vector<16xf32>
    %swap3A_370 = arith.constant 16 : index
    %swap3A_371 = tpu.vector_load %arg9[%swap3A_370] {strides = array<i32>} : memref<32xf32, #tpu.memory_space<vmem>>, vector<16xf32>,
    %swap3A_372 = vector.shape_cast %swap3A_371 : vector<16xf32> to vector<16xf32>
    %swap3A_373 = vector.shape_cast %broadcast_in_dim3A_369 : vector<16xf32> to vector<16xf32>
    tpu.vector_store %arg9[%swap3A_370], %swap3A_373 {strides = array<i32>} : memref<32xf32, #tpu.memory_space<vmem>>, vector<16xf32>,
    %swap3A_374 = arith.constant 0 : index
    %swap3A_375 = tpu.vector_load %arg9[%swap3A_374] {strides = array<i32>} : memref<32xf32, #tpu.memory_space<vmem>>, vector<16xf32>,
    %swap3A_376 = vector.shape_cast %swap3A_375 : vector<16xf32> to vector<16xf32>
    %swap3A_377 = vector.shape_cast %add3A_367 : vector<16xf32> to vector<16xf32>
    tpu.vector_store %arg9[%swap3A_374], %swap3A_377 {strides = array<i32>} : memref<32xf32, #tpu.memory_space<vmem>>, vector<16xf32>,
    %get3A_378 = arith.constant 8 : index
    %get3A_379 = tpu.vector_load %arg9[%get3A_378] {strides = array<i32>} : memref<32xf32, #tpu.memory_space<vmem>>, vector<16xf32>,
    %get3A_380 = vector.shape_cast %get3A_379 : vector<16xf32> to vector<16xf32>
    %add3A_381 = arith.addf %add3A_367, %get3A_380 : vector<16xf32>
    %swap3A_382 = arith.constant 0 : index
    %swap3A_383 = tpu.vector_load %arg9[%swap3A_382] {strides = array<i32>} : memref<32xf32, #tpu.memory_space<vmem>>, vector<16xf32>,
    %swap3A_384 = vector.shape_cast %swap3A_383 : vector<16xf32> to vector<16xf32>
    %swap3A_385 = vector.shape_cast %add3A_381 : vector<16xf32> to vector<16xf32>
    tpu.vector_store %arg9[%swap3A_382], %swap3A_385 {strides = array<i32>} : memref<32xf32, #tpu.memory_space<vmem>>, vector<16xf32>,
    %get3A_386 = arith.constant 4 : index
    %get3A_387 = tpu.vector_load %arg9[%get3A_386] {strides = array<i32>} : memref<32xf32, #tpu.memory_space<vmem>>, vector<16xf32>,
    %get3A_388 = vector.shape_cast %get3A_387 : vector<16xf32> to vector<16xf32>
    %add3A_389 = arith.addf %add3A_381, %get3A_388 : vector<16xf32>
    %swap3A_390 = arith.constant 0 : index
    %swap3A_391 = tpu.vector_load %arg9[%swap3A_390] {strides = array<i32>} : memref<32xf32, #tpu.memory_space<vmem>>, vector<16xf32>,
    %swap3A_392 = vector.shape_cast %swap3A_391 : vector<16xf32> to vector<16xf32>
    %swap3A_393 = vector.shape_cast %add3A_389 : vector<16xf32> to vector<16xf32>
    tpu.vector_store %arg9[%swap3A_390], %swap3A_393 {strides = array<i32>} : memref<32xf32, #tpu.memory_space<vmem>>, vector<16xf32>,
    %get3A_394 = arith.constant 2 : index
    %get3A_395 = tpu.vector_load %arg9[%get3A_394] {strides = array<i32>} : memref<32xf32, #tpu.memory_space<vmem>>, vector<16xf32>,
    %get3A_396 = vector.shape_cast %get3A_395 : vector<16xf32> to vector<16xf32>
    %add3A_397 = arith.addf %add3A_389, %get3A_396 : vector<16xf32>
    %swap3A_398 = arith.constant 0 : index
    %swap3A_399 = tpu.vector_load %arg9[%swap3A_398] {strides = array<i32>} : memref<32xf32, #tpu.memory_space<vmem>>, vector<16xf32>,
    %swap3A_400 = vector.shape_cast %swap3A_399 : vector<16xf32> to vector<16xf32>
    %swap3A_401 = vector.shape_cast %add3A_397 : vector<16xf32> to vector<16xf32>
    tpu.vector_store %arg9[%swap3A_398], %swap3A_401 {strides = array<i32>} : memref<32xf32, #tpu.memory_space<vmem>>, vector<16xf32>,
    %get3A_402 = arith.constant 1 : index
    %get3A_403 = tpu.vector_load %arg9[%get3A_402] {strides = array<i32>} : memref<32xf32, #tpu.memory_space<vmem>>, vector<16xf32>,
    %get3A_404 = vector.shape_cast %get3A_403 : vector<16xf32> to vector<16xf32>
    %add3A_405 = arith.addf %add3A_397, %get3A_404 : vector<16xf32>
    %slice3A_406 = vector.extract_strided_slice %add3A_405 {offsets = [0], sizes = [1], strides = [1]} : vector<16xf32> to vector<1xf32>
    %squeeze3A_407 = vector.extract %slice3A_406[0] : f32 from vector<1xf32>
    %sub3A_408 = arith.subf %broadcast_in_dim3A_177, %broadcast_in_dim3A_293 : vector<16xf32>
    %mul3A_409 = arith.constant 1.000000e+01 : f32
    %mul3A_410 = vector.broadcast %mul3A_409 : f32 to vector<16xf32>
    %mul3A_411 = arith.mulf %sub3A_408, %mul3A_410 : vector<16xf32>
    %exp3A = math.exp %mul3A_411 : vector<16xf32>
    %sub3A_412 = arith.subf %bitcast_convert_type3A_360, %broadcast_in_dim3A_293 : vector<16xf32>
    %mul3A_413 = arith.constant 1.000000e+01 : f32
    %mul3A_414 = vector.broadcast %mul3A_413 : f32 to vector<16xf32>
    %mul3A_415 = arith.mulf %sub3A_412, %mul3A_414 : vector<16xf32>
    %exp3A_416 = math.exp %mul3A_415 : vector<16xf32>
    %ge3A_417 = arith.cmpi sge, %squeeze3A_243, %scan3A_350#0 : i32
    %jit3A_418 = arith.constant 1.000000e+00 : f32
    %jit3A_419 = arith.constant 0.000000e+00 : f32
    %select_n3A_420 = arith.select %ge3A_417, %jit3A_418, %jit3A_419 : f32
    %broadcast_in_dim3A_421 = vector.broadcast %select_n3A_420 : f32 to vector<16xf32>
    %broadcast_in_dim3A_422 = vector.broadcast %squeeze3A_407 : f32 to vector<16xf32>
    %mul3A_423 = arith.mulf %broadcast_in_dim3A_421, %exp3A : vector<16xf32>
    %sub3A_424 = arith.subf %broadcast_in_dim3A_422, %mul3A_423 : vector<16xf32>
    %broadcast_in_dim3A_425 = vector.broadcast %scan3A_350#1 : f32 to vector<16xf32>
    %sub3A_426 = arith.constant 1.638300e+04 : f32
    %sub3A_427 = vector.broadcast %sub3A_426 : f32 to vector<16xf32>
    %sub3A_428 = arith.subf %sub3A_427, %broadcast_in_dim3A_425 : vector<16xf32>
    %mul3A_429 = arith.mulf %sub3A_428, %exp3A_416 : vector<16xf32>
    %add3A_430 = arith.addf %sub3A_424, %mul3A_429 : vector<16xf32>
    %add3A_431 = arith.addf %add3A_430, %exp3A : vector<16xf32>
    %broadcast_in_dim3A_432 = arith.constant 0 : i32
    %broadcast_in_dim3A_433 = vector.broadcast %broadcast_in_dim3A_432 : i32 to vector<16xi32>
    %eq3A_434 = arith.cmpi eq, %iota3A, %broadcast_in_dim3A_433 : vector<16xi32>
    %select_n3A_435 = arith.select %eq3A_434, %add3A_431, %broadcast_in_dim3A_1 : vector<16xi1>, vector<16xf32>
    %broadcast_in_dim3A_436 = arith.constant 1 : i32
    %broadcast_in_dim3A_437 = vector.broadcast %broadcast_in_dim3A_436 : i32 to vector<16xi32>
    %eq3A_438 = arith.cmpi eq, %iota3A, %broadcast_in_dim3A_437 : vector<16xi32>
    %select_n3A_439 = arith.select %eq3A_438, %broadcast_in_dim3A_293, %select_n3A_435 : vector<16xi1>, vector<16xf32>
    %broadcast_in_dim3A_440 = arith.constant 2 : i32
    %broadcast_in_dim3A_441 = vector.broadcast %broadcast_in_dim3A_440 : i32 to vector<16xi32>
    %eq3A_442 = arith.cmpi eq, %iota3A, %broadcast_in_dim3A_441 : vector<16xi32>
    %select_n3A_443 = arith.select %eq3A_442, %broadcast_in_dim3A_177, %select_n3A_439 : vector<16xi1>, vector<16xf32>
    %swap3A_444 = arith.constant 0 : index
    %swap3A_445 = tpu.vector_load %arg8[%swap3A_444] {strides = array<i32>} : memref<16xf32, #tpu.memory_space<vmem>>, vector<16xf32>,
    %swap3A_446 = vector.shape_cast %swap3A_445 : vector<16xf32> to vector<16xf32>
    %swap3A_447 = vector.shape_cast %select_n3A_443 : vector<16xf32> to vector<16xf32>
    tpu.vector_store %arg8[%swap3A_444], %swap3A_447 {strides = array<i32>} : memref<16xf32, #tpu.memory_space<vmem>>, vector<16xf32>,
    "tpu.region"() ({
      %run_scoped3A = tpu.sem_alloc : memref<!tpu.dma_semaphore, #tpu.memory_space<semaphore_mem>>
      %dma_start3A = arith.constant 0 : i32
      %dma_start3A_448 = tpu.memref_slice %arg4[%add3A, %dma_start3A] : memref<32x16xf32, #tpu.memory_space<hbm>> -> memref<1x16xf32, #tpu.memory_space<hbm>>
      %dma_start3A_449 = tpu.memref_squeeze %dma_start3A_448 : memref<1x16xf32, #tpu.memory_space<hbm>> -> memref<16xf32, #tpu.memory_space<hbm>>
      %dma_start3A_450 = arith.constant 0 : i32
      %dma_start3A_451 = tpu.memref_slice %arg4[%add3A, %dma_start3A_450] : memref<32x16xf32, #tpu.memory_space<hbm>> -> memref<1x16xf32, #tpu.memory_space<hbm>>
      %dma_start3A_452 = tpu.memref_squeeze %dma_start3A_451 : memref<1x16xf32, #tpu.memory_space<hbm>> -> memref<16xf32, #tpu.memory_space<hbm>>
      tpu.enqueue_dma source(%arg8 : memref<16xf32, #tpu.memory_space<vmem>>) target(%dma_start3A_452 : memref<16xf32, #tpu.memory_space<hbm>>) target_semaphore(%run_scoped3A : memref<!tpu.dma_semaphore, #tpu.memory_space<semaphore_mem>>)
      %dma_wait3A = arith.constant 0 : i32
      %dma_wait3A_453 = tpu.memref_slice %arg4[%add3A, %dma_wait3A] : memref<32x16xf32, #tpu.memory_space<hbm>> -> memref<1x16xf32, #tpu.memory_space<hbm>>
      %dma_wait3A_454 = tpu.memref_squeeze %dma_wait3A_453 : memref<1x16xf32, #tpu.memory_space<hbm>> -> memref<16xf32, #tpu.memory_space<hbm>>
      %dma_wait3A_455 = arith.constant 0 : i32
      %dma_wait3A_456 = tpu.memref_slice %arg4[%add3A, %dma_wait3A_455] : memref<32x16xf32, #tpu.memory_space<hbm>> -> memref<1x16xf32, #tpu.memory_space<hbm>>
      %dma_wait3A_457 = tpu.memref_squeeze %dma_wait3A_456 : memref<1x16xf32, #tpu.memory_space<hbm>> -> memref<16xf32, #tpu.memory_space<hbm>>
      tpu.wait_dma2 semaphore(%run_scoped3A : memref<!tpu.dma_semaphore, #tpu.memory_space<semaphore_mem>>) src(%arg8 : memref<16xf32, #tpu.memory_space<vmem>>) dst(%dma_wait3A_457 : memref<16xf32, #tpu.memory_space<hbm>>)
      tpu.yield
    }) : () -> ()
    return
  }
}

module attributes {stable_mosaic.version = 14 : i64} {
  func.func @_tc_body(%arg0: i32, %arg1: memref<32x32768xf32, #tpu.memory_space<vmem>>, %arg2: memref<32x1xi32, #tpu.memory_space<vmem>>, %arg3: memref<32x1xf32, #tpu.memory_space<vmem>>, %arg4: memref<32x32768xi32, #tpu.memory_space<vmem>>) attributes {dimension_semantics = [#tpu.dimension_semantics<arbitrary>], iteration_bounds = array<i64: 3>, scalar_prefetch = 0 : i64, scratch_operands = 1 : i64, tpu.core_type = #tpu.core_type<tc>, window_params = [{transform_indices = @transform_0, window_bounds = array<i64: 32, 32768>}, {transform_indices = @transform_1, window_bounds = array<i64: 32, 1>}, {transform_indices = @transform_2, window_bounds = array<i64: 32, 1>}]} {
    %get3A = arith.constant 0 : index
    %get3A_0 = arith.constant 0 : index
    %get3A_1 = vector.load %arg1[%get3A, %get3A_0] : memref<32x32768xf32, #tpu.memory_space<vmem>>, vector<32x32768xf32>
    %get3A_2 = arith.constant 0 : index
    %get3A_3 = arith.constant 0 : index
    %get3A_4 = vector.load %arg2[%get3A_2, %get3A_3] : memref<32x1xi32, #tpu.memory_space<vmem>>, vector<32x1xi32>
    %iota3A = tpu.iota {dimensions = array<i32: 1>} : vector<32x32768xi32>
    %eq3A = vector.broadcast %get3A_4 : vector<32x1xi32> to vector<32x32768xi32>
    %eq3A_5 = arith.cmpi eq, %iota3A, %eq3A : vector<32x32768xi32>
    %bitcast_convert_type3A = tpu.bitcast %get3A_1 : vector<32x32768xf32> -> vector<32x32768xi32>
    %shift_right_arithmetic3A = arith.constant 31 : i32
    %shift_right_arithmetic3A_6 = vector.broadcast %shift_right_arithmetic3A : i32 to vector<32x32768xi32>
    %shift_right_arithmetic3A_7 = arith.shrsi %bitcast_convert_type3A, %shift_right_arithmetic3A_6 : vector<32x32768xi32>
    %and3A = arith.constant 2147483647 : i32
    %and3A_8 = vector.broadcast %and3A : i32 to vector<32x32768xi32>
    %and3A_9 = arith.andi %shift_right_arithmetic3A_7, %and3A_8 : vector<32x32768xi32>
    %xor3A = arith.xori %bitcast_convert_type3A, %and3A_9 : vector<32x32768xi32>
    %jit3A = arith.constant -2147483648 : i32
    %broadcast_in_dim3A = vector.broadcast %jit3A : i32 to vector<32x32768xi32>
    %select_n3A = arith.select %eq3A_5, %broadcast_in_dim3A, %xor3A : vector<32x32768xi1>, vector<32x32768xi32>
    %swap3A = arith.constant 0 : index
    %swap3A_10 = arith.constant 0 : index
    %swap3A_11 = vector.load %arg4[%swap3A, %swap3A_10] : memref<32x32768xi32, #tpu.memory_space<vmem>>, vector<32x32768xi32>
    tpu.vector_store %arg4[%swap3A, %swap3A_10], %select_n3A {strides = array<i32>} : memref<32x32768xi32, #tpu.memory_space<vmem>>, vector<32x32768xi32>,
    %reduce_max3A = arith.constant dense<0xFF800000> : vector<32xf32>
    %reduce_max3A_12 = vector.multi_reduction <maximumf>, %get3A_1, %reduce_max3A [1] : vector<32x32768xf32> to vector<32xf32>
    %broadcast_in_dim3A_13 = vector.shape_cast %reduce_max3A_12 : vector<32xf32> to vector<32x1xf32>
    %jit3A_14 = arith.constant 0.000000e+00 : f32
    %broadcast_in_dim3A_15 = vector.broadcast %jit3A_14 : f32 to vector<32x32768xf32>
    %select_n3A_16 = arith.select %eq3A_5, %get3A_1, %broadcast_in_dim3A_15 : vector<32x32768xi1>, vector<32x32768xf32>
    %reduce_sum3A = arith.constant dense<0.000000e+00> : vector<32xf32>
    %reduce_sum3A_17 = vector.multi_reduction <add>, %select_n3A_16, %reduce_sum3A [1] : vector<32x32768xf32> to vector<32xf32>
    %broadcast_in_dim3A_18 = vector.shape_cast %reduce_sum3A_17 : vector<32xf32> to vector<32x1xf32>
    %broadcast_in_dim3A_19 = arith.constant -2147483648 : i32
    %broadcast_in_dim3A_20 = vector.broadcast %broadcast_in_dim3A_19 : i32 to vector<32x1xi32>
    %scan3A = arith.constant 0 : i32
    %scan3A_21 = arith.constant 32 : i32
    %scan3A_22 = arith.addi %scan3A, %scan3A_21 : i32
    %scan3A_23 = arith.constant 1 : i32
    %scan3A_24 = scf.for %scan3A_74 = %scan3A to %scan3A_22 step %scan3A_23 iter_args(%scan3A_75 = %broadcast_in_dim3A_20) -> (vector<32x1xi32>)  : i32 {
      %eq3A_76 = arith.constant 0 : i32
      %eq3A_77 = arith.cmpi eq, %scan3A_74, %eq3A_76 : i32
      %broadcast_in_dim3A_78 = arith.constant 0 : i32
      %broadcast_in_dim3A_79 = vector.broadcast %broadcast_in_dim3A_78 : i32 to vector<32x1xi32>
      %sub3A_80 = arith.constant 31 : i32
      %sub3A_81 = arith.subi %sub3A_80, %scan3A_74 : i32
      %shift_left3A = arith.constant 1 : i32
      %shift_left3A_82 = arith.shli %shift_left3A, %sub3A_81 : i32
      %or3A = vector.broadcast %shift_left3A_82 : i32 to vector<32x1xi32>
      %or3A_83 = arith.ori %scan3A_75, %or3A : vector<32x1xi32>
      %select_n3A_84 = arith.select %eq3A_77, %broadcast_in_dim3A_79, %or3A_83 : vector<32x1xi32>
      %get3A_85 = arith.constant 0 : index
      %get3A_86 = arith.constant 0 : index
      %get3A_87 = vector.load %arg4[%get3A_85, %get3A_86] : memref<32x32768xi32, #tpu.memory_space<vmem>>, vector<32x32768xi32>
      %ge3A = vector.broadcast %select_n3A_84 : vector<32x1xi32> to vector<32x32768xi32>
      %ge3A_88 = arith.cmpi sge, %get3A_87, %ge3A : vector<32x32768xi32>
      %convert_element_type3A_89 = arith.extui %ge3A_88 : vector<32x32768xi1> to vector<32x32768xi32>
      %convert_element_type3A_90 = arith.sitofp %convert_element_type3A_89 : vector<32x32768xi32> to vector<32x32768xf32>
      %reduce_sum3A_91 = arith.constant dense<0.000000e+00> : vector<32xf32>
      %reduce_sum3A_92 = vector.multi_reduction <add>, %convert_element_type3A_90, %reduce_sum3A_91 [1] : vector<32x32768xf32> to vector<32xf32>
      %broadcast_in_dim3A_93 = vector.shape_cast %reduce_sum3A_92 : vector<32xf32> to vector<32x1xf32>
      %ge3A_94 = arith.constant 1.638300e+04 : f32
      %ge3A_95 = vector.broadcast %ge3A_94 : f32 to vector<32x1xf32>
      %ge3A_96 = arith.cmpf oge, %broadcast_in_dim3A_93, %ge3A_95 : vector<32x1xf32>
      %select_n3A_97 = arith.select %ge3A_96, %select_n3A_84, %scan3A_75 : vector<32x1xi1>, vector<32x1xi32>
      scf.yield %select_n3A_97 : vector<32x1xi32>
    }
    %scan3A_25 = arith.constant 32 : i32
    %get3A_26 = arith.constant 0 : index
    %get3A_27 = arith.constant 0 : index
    %get3A_28 = vector.load %arg4[%get3A_26, %get3A_27] : memref<32x32768xi32, #tpu.memory_space<vmem>>, vector<32x32768xi32>
    %gt3A = vector.broadcast %scan3A_24 : vector<32x1xi32> to vector<32x32768xi32>
    %gt3A_29 = arith.cmpi sgt, %get3A_28, %gt3A : vector<32x32768xi32>
    %sub3A = vector.broadcast %broadcast_in_dim3A_13 : vector<32x1xf32> to vector<32x32768xf32>
    %sub3A_30 = arith.subf %get3A_1, %sub3A : vector<32x32768xf32>
    %mul3A = arith.constant 1.000000e+01 : f32
    %mul3A_31 = vector.broadcast %mul3A : f32 to vector<32x32768xf32>
    %mul3A_32 = arith.mulf %sub3A_30, %mul3A_31 : vector<32x32768xf32>
    %exp3A = math.exp %mul3A_32 : vector<32x32768xf32>
    %jit3A_33 = arith.constant 0.000000e+00 : f32
    %broadcast_in_dim3A_34 = vector.broadcast %jit3A_33 : f32 to vector<32x32768xf32>
    %select_n3A_35 = arith.select %gt3A_29, %exp3A, %broadcast_in_dim3A_34 : vector<32x32768xi1>, vector<32x32768xf32>
    %reduce_sum3A_36 = arith.constant dense<0.000000e+00> : vector<32xf32>
    %reduce_sum3A_37 = vector.multi_reduction <add>, %select_n3A_35, %reduce_sum3A_36 [1] : vector<32x32768xf32> to vector<32xf32>
    %broadcast_in_dim3A_38 = vector.shape_cast %reduce_sum3A_37 : vector<32xf32> to vector<32x1xf32>
    %convert_element_type3A = arith.extui %gt3A_29 : vector<32x32768xi1> to vector<32x32768xi32>
    %convert_element_type3A_39 = arith.sitofp %convert_element_type3A : vector<32x32768xi32> to vector<32x32768xf32>
    %reduce_sum3A_40 = arith.constant dense<0.000000e+00> : vector<32xf32>
    %reduce_sum3A_41 = vector.multi_reduction <add>, %convert_element_type3A_39, %reduce_sum3A_40 [1] : vector<32x32768xf32> to vector<32xf32>
    %broadcast_in_dim3A_42 = vector.shape_cast %reduce_sum3A_41 : vector<32xf32> to vector<32x1xf32>
    %shift_right_arithmetic3A_43 = arith.constant 31 : i32
    %shift_right_arithmetic3A_44 = vector.broadcast %shift_right_arithmetic3A_43 : i32 to vector<32x1xi32>
    %shift_right_arithmetic3A_45 = arith.shrsi %scan3A_24, %shift_right_arithmetic3A_44 : vector<32x1xi32>
    %and3A_46 = arith.constant 2147483647 : i32
    %and3A_47 = vector.broadcast %and3A_46 : i32 to vector<32x1xi32>
    %and3A_48 = arith.andi %shift_right_arithmetic3A_45, %and3A_47 : vector<32x1xi32>
    %xor3A_49 = arith.xori %scan3A_24, %and3A_48 : vector<32x1xi32>
    %bitcast_convert_type3A_50 = tpu.bitcast %xor3A_49 : vector<32x1xi32> -> vector<32x1xf32>
    %sub3A_51 = arith.subf %bitcast_convert_type3A_50, %broadcast_in_dim3A_13 : vector<32x1xf32>
    %mul3A_52 = arith.constant 1.000000e+01 : f32
    %mul3A_53 = vector.broadcast %mul3A_52 : f32 to vector<32x1xf32>
    %mul3A_54 = arith.mulf %sub3A_51, %mul3A_53 : vector<32x1xf32>
    %exp3A_55 = math.exp %mul3A_54 : vector<32x1xf32>
    %sub3A_56 = arith.subf %broadcast_in_dim3A_18, %broadcast_in_dim3A_13 : vector<32x1xf32>
    %mul3A_57 = arith.constant 1.000000e+01 : f32
    %mul3A_58 = vector.broadcast %mul3A_57 : f32 to vector<32x1xf32>
    %mul3A_59 = arith.mulf %sub3A_56, %mul3A_58 : vector<32x1xf32>
    %exp3A_60 = math.exp %mul3A_59 : vector<32x1xf32>
    %sub3A_61 = arith.constant 1.638300e+04 : f32
    %sub3A_62 = vector.broadcast %sub3A_61 : f32 to vector<32x1xf32>
    %sub3A_63 = arith.subf %sub3A_62, %broadcast_in_dim3A_42 : vector<32x1xf32>
    %mul3A_64 = arith.mulf %sub3A_63, %exp3A_55 : vector<32x1xf32>
    %add3A = arith.addf %broadcast_in_dim3A_38, %mul3A_64 : vector<32x1xf32>
    %add3A_65 = arith.addf %add3A, %exp3A_60 : vector<32x1xf32>
    %log3A = math.log %add3A_65 : vector<32x1xf32>
    %sub3A_66 = arith.subf %broadcast_in_dim3A_13, %broadcast_in_dim3A_18 : vector<32x1xf32>
    %mul3A_67 = arith.constant 1.000000e+01 : f32
    %mul3A_68 = vector.broadcast %mul3A_67 : f32 to vector<32x1xf32>
    %mul3A_69 = arith.mulf %mul3A_68, %sub3A_66 : vector<32x1xf32>
    %add3A_70 = arith.addf %log3A, %mul3A_69 : vector<32x1xf32>
    %swap3A_71 = arith.constant 0 : index
    %swap3A_72 = arith.constant 0 : index
    %swap3A_73 = vector.load %arg3[%swap3A_71, %swap3A_72] : memref<32x1xf32, #tpu.memory_space<vmem>>, vector<32x1xf32>
    tpu.vector_store %arg3[%swap3A_71, %swap3A_72], %add3A_70 {strides = array<i32>} : memref<32x1xf32, #tpu.memory_space<vmem>>, vector<32x1xf32>,
    return
  }
  func.func @transform_0(%arg0: i32) -> (i32, i32) {
    %add3A = arith.constant 1 : i32
    %add3A_0 = arith.addi %arg0, %add3A : i32
    %c0_i32 = arith.constant 0 : i32
    %c0_i32_1 = arith.constant 0 : i32
    return %add3A_0, %c0_i32 : i32, i32
  }
  func.func @transform_1(%arg0: i32) -> (i32, i32) {
    %add3A = arith.constant 1 : i32
    %add3A_0 = arith.addi %arg0, %add3A : i32
    %c0_i32 = arith.constant 0 : i32
    %c0_i32_1 = arith.constant 0 : i32
    return %add3A_0, %c0_i32 : i32, i32
  }
  func.func @transform_2(%arg0: i32) -> (i32, i32) {
    %c0_i32 = arith.constant 0 : i32
    %c0_i32_0 = arith.constant 0 : i32
    return %arg0, %c0_i32 : i32, i32
  }
}

module attributes {stable_mosaic.version = 14 : i64} {
  func.func @_finish_body(%arg0: memref<32x16xf32, #tpu.memory_space<vmem>>, %arg1: memref<96x1xf32, #tpu.memory_space<vmem>>, %arg2: memref<1xf32, #tpu.memory_space<smem>>) attributes {dimension_semantics = [], scalar_prefetch = 0 : i64, scratch_operands = 0 : i64, tpu.core_type = #tpu.core_type<tc>} {
    %get3A = arith.constant 0 : index
    %get3A_0 = arith.constant 0 : index
    %get3A_1 = vector.load %arg0[%get3A, %get3A_0] : memref<32x16xf32, #tpu.memory_space<vmem>>, vector<32x16xf32>
    %slice3A = vector.extract_strided_slice %get3A_1 {offsets = [0, 0], sizes = [32, 1], strides = [1, 1]} : vector<32x16xf32> to vector<32x1xf32>
    %slice3A_2 = vector.extract_strided_slice %get3A_1 {offsets = [0, 1], sizes = [32, 1], strides = [1, 1]} : vector<32x16xf32> to vector<32x1xf32>
    %slice3A_3 = vector.extract_strided_slice %get3A_1 {offsets = [0, 2], sizes = [32, 1], strides = [1, 1]} : vector<32x16xf32> to vector<32x1xf32>
    %log3A = math.log %slice3A : vector<32x1xf32>
    %sub3A = arith.subf %slice3A_2, %slice3A_3 : vector<32x1xf32>
    %mul3A = arith.constant 1.000000e+01 : f32
    %mul3A_4 = vector.broadcast %mul3A : f32 to vector<32x1xf32>
    %mul3A_5 = arith.mulf %mul3A_4, %sub3A : vector<32x1xf32>
    %add3A = arith.addf %log3A, %mul3A_5 : vector<32x1xf32>
    %reduce_sum3A = vector.shape_cast %add3A : vector<32x1xf32> to vector<1x32x1xf32>
    %reduce_sum3A_6 = arith.constant dense<0.000000e+00> : vector<1xf32>
    %reduce_sum3A_7 = vector.multi_reduction <add>, %reduce_sum3A, %reduce_sum3A_6 [1, 2] : vector<1x32x1xf32> to vector<1xf32>
    %reduce_sum3A_8 = vector.shape_cast %reduce_sum3A_7 : vector<1xf32> to vector<1x1x1xf32>
    %reduce_sum3A_9 = vector.extract %reduce_sum3A_8[0, 0, 0] : f32 from vector<1x1x1xf32>
    %get3A_10 = arith.constant 0 : index
    %get3A_11 = arith.constant 0 : index
    %get3A_12 = vector.load %arg1[%get3A_10, %get3A_11] : memref<96x1xf32, #tpu.memory_space<vmem>>, vector<96x1xf32>
    %reduce_sum3A_13 = vector.shape_cast %get3A_12 : vector<96x1xf32> to vector<1x96x1xf32>
    %reduce_sum3A_14 = arith.constant dense<0.000000e+00> : vector<1xf32>
    %reduce_sum3A_15 = vector.multi_reduction <add>, %reduce_sum3A_13, %reduce_sum3A_14 [1, 2] : vector<1x96x1xf32> to vector<1xf32>
    %reduce_sum3A_16 = vector.shape_cast %reduce_sum3A_15 : vector<1xf32> to vector<1x1x1xf32>
    %reduce_sum3A_17 = vector.extract %reduce_sum3A_16[0, 0, 0] : f32 from vector<1x1x1xf32>
    %add3A_18 = arith.addf %reduce_sum3A_9, %reduce_sum3A_17 : f32
    %mul3A_19 = arith.constant 7.812500e-03 : f32
    %mul3A_20 = arith.mulf %add3A_18, %mul3A_19 : f32
    %swap3A = arith.constant 0 : index
    %swap3A_21 = memref.load %arg2[%swap3A] : memref<1xf32, #tpu.memory_space<smem>>
    memref.store %mul3A_20, %arg2[%swap3A] : memref<1xf32, #tpu.memory_space<smem>>
    return
  }
}

</mosaic_0001>

<sc_bundles>
// kernel: _run.5.cloned.1.call-start
scs
__scs_entry_jumppad:
0x0: {  	(pc) =	sbr.rel $0x88, $3  }
0x1: {  	(tag) =	ssettag $0x0;
	lr =	simm.s32 $0x1  }
0x2: {  	[smem:$0x3F9F] =	sst lr;
	_ =	strace $0xD0000000  }
0x3: {  	_ = 	snop  }
0x4: {  	_ = 	snop  }
0x5: {  	_ = 	snop  }
0x6: {  	_ = 	snop  }
0x7: {  	_ = 	snop  }
__scs_overlays_trampoline_lowered:
0x8: {  	[smem:$0x3FAE] =	sst s0  }
0x9: {  	[smem:$0x3FAF] =	sst s1  }
0xa: {  	[smem:$0x3FB0] =	sst s2  }
0xb: {  	[smem:$0x3FB1] =	sst s3  }
0xc: {  	[smem:$0x3FB2] =	sst s4  }
0xd: {  	[smem:$0x3FB3] =	sst s5  }
0xe: {  	[smem:$0x3FB4] =	sst s6  }
0xf: {  	[smem:$0x3FB5] =	sst s7  }
0x10: {  	[smem:$0x3FB6] =	sst s8  }
0x11: {  	[smem:$0x3FB7] =	sst s9;
	s0 =	simm.s32 @!p0 $0x0  }
0x12: {  	s1 =	sld [smem:$0x3F9D];
	s0 =	simm.s32 @p0 $0x1  }
0x13: {  	[smem:$0x3FB8] =	sst s0;
	s0 =	simm.s32 @!p1 $0x0  }
0x14: {  	s2 =	sld [smem:$0x3F9C];
	s0 =	simm.s32 @p1 $0x1  }
0x15: {  	[smem:$0x3FB9] =	sst s0;
	s0 =	simm.s32 @!p2 $0x0  }
0x16: {  	s3 =	sld [smem:$0x3FDB];
	s0 =	simm.s32 @p2 $0x1  }
0x17: {  	s4 =	simm.s32 $0x1BF5;
	[smem:$0x3FBB] =	sst s0  }
0x18: {  	s0 =	sld [smem:$0x3F9E];
	_ =	swait.ge [sflag:s4], $0x0  }
0x19: {  	s7 =	sld [smem:$0x3F9F]  }
0x1a: {  	s8 =	sadd.s32 $0xFFFFE003, lr  }
0x1b: {  	s9 =	sadd.s32 $0xFFFFFEF7, lr;
	s5 =	simm.s32 $0xFFFFFFFF;
	p2 =	slt.u32 s8, $0xFFFFF086  }
0x1c: {  	p1 =	slt.u32 s9, $0xF7A;
	s5 =	simm.s32 @!p2 $0x0  }
0x1d: {  	s5 =	simm.s32 @p1 $0x1;
	p0 =	seq.s32 s7, s2  }
0x1e: {  	s7 =	smul.u32 @!p0 $0xF7A, s2;
	p2 =	seq.s32 @!p0 s5, $0x0  }
0x1f: {  	s9 =	smul.u32 $0xF7A, s1;
	s8 =	simm.s32 @!p0 $0x1BF5;
	p2 =	por !p2, p0  }
0x20: {  	[sflag:s8] =	ssyncset.s32 @!p0 $0xFFFFF086;
	s6 =	sadd.s32 @!p0 s3, s7;
	s7 =	simm.s32 @!p0 $0x108  }
0x21: {  	s3 =	sadd.s32 s3, s9;
	s6 =	sadd.s32 @!p0 $0x88, s6;
	s7 =	simm.s32 @p2 $0x1082  }
0x22: {  	[simem:s7], [sflag:s8] =	dma.local @!p0 [hbm:s6], $0xF7A  }
0x23: {  	s9 =	sor.u32 $0xD0000000, s2;
	s6 =	simm.s32 $0x108;
	_ =	swait.ge @!p0 [sflag:s8], $0x0  }
0x24: {  	s3 =	sadd.s32 $0x88, s3;
	s6 =	simm.s32 @!p1 $0x1082;
	[sflag:s4] =	ssyncset.s32 $0xFFFFF086  }
0x25: {  	[simem:s6], [sflag:s4] =	dma.local [hbm:s3], $0xF7A  }
0x26: {  	[smem:$0x3F9F] =	sst s1;
	(tag) =	ssettag s2;
	_ =	strace s9  }
0x27: {  	s1 =	sld [smem:$0x3FAF]  }
0x28: {  	s2 =	sld [smem:$0x3FB0]  }
0x29: {  	s4 =	sld [smem:$0x3FB2]  }
0x2a: {  	p0 =	seq.s32 s5, $0x0;
	s5 =	sld [smem:$0x3FB3]  }
0x2b: {  	s6 =	sld [smem:$0x3FB4]  }
0x2c: {  	s7 =	sld [smem:$0x3FB5]  }
0x2d: {  	s3 =	simm.s32 $0x108;
	s8 =	sld [smem:$0x3FB6]  }
0x2e: {  	s3 =	simm.s32 @!p0 $0x1082;
	s9 =	sld [smem:$0x3FB7]  }
0x2f: {  	lr =	sadd.s32 s0, s3;
	s0 =	sld [smem:$0x3FAE]  }
0x30: {  	s3 =	sld [smem:$0x3FB1]  }
0x31: {  	[smem:$0x3FBA] =	sst s10  }
0x32: {  	s10 =	sld [smem:$0x3FB8];
	_ =	sdelay $0x3  }
0x33: {  	p0 =	seq.s32 s10, $0x1;
	s10 =	sld [smem:$0x3FBA];
	_ =	sdelay $0x3  }
0x34: {  	[smem:$0x3FBA] =	sst s10  }
0x35: {  	s10 =	sld [smem:$0x3FB9];
	_ =	sdelay $0x3  }
0x36: {  	p1 =	seq.s32 s10, $0x1;
	s10 =	sld [smem:$0x3FBA];
	_ =	sdelay $0x3  }
0x37: {  	[smem:$0x3FBA] =	sst s10  }
0x38: {  	s10 =	sld [smem:$0x3FBB]  }
0x39: {  	_ = 	snop;
	(pc) =	sbr.ind lr, $3  }
0x3a: {  	_ = 	snop  }
0x3b: {  	_ = 	snop  }
0x3c: {  	p2 =	seq.s32 s10, $0x1;
	s10 =	sld [smem:$0x3FBA]  }
0x3d: {  	_ =	shalt  }
0x3e: {  	_ =	shalt  }
0x3f: {  	_ =	shalt  }
0x40: {  	_ =	shalt  }
0x41: {  	_ =	shalt  }
0x42: {  	_ =	shalt  }
0x43: {  	_ =	shalt  }
0x44: {  	_ =	shalt  }
0x45: {  	_ =	shalt  }
0x46: {  	_ =	shalt  }
0x47: {  	_ =	shalt  }
0x48: {  	_ =	shalt  }
0x49: {  	_ =	shalt  }
0x4a: {  	_ =	shalt  }
0x4b: {  	_ =	shalt  }
0x4c: {  	_ =	shalt  }
0x4d: {  	_ =	shalt  }
0x4e: {  	_ =	shalt  }
0x4f: {  	_ =	shalt  }
0x50: {  	_ =	shalt  }
0x51: {  	_ =	shalt  }
0x52: {  	_ =	shalt  }
0x53: {  	_ =	shalt  }
0x54: {  	_ =	shalt  }
0x55: {  	_ =	shalt  }
0x56: {  	_ =	shalt  }
0x57: {  	_ =	shalt  }
0x58: {  	_ =	shalt  }
0x59: {  	_ =	shalt  }
0x5a: {  	_ =	shalt  }
0x5b: {  	_ =	shalt  }
0x5c: {  	_ =	shalt  }
0x5d: {  	_ =	shalt  }
0x5e: {  	_ =	shalt  }
0x5f: {  	_ =	shalt  }
0x60: {  	_ =	shalt  }
0x61: {  	_ =	shalt  }
0x62: {  	_ =	shalt  }
0x63: {  	_ =	shalt  }
0x64: {  	_ =	shalt  }
0x65: {  	_ =	shalt  }
0x66: {  	_ =	shalt  }
0x67: {  	_ =	shalt  }
0x68: {  	_ =	shalt  }
0x69: {  	_ =	shalt  }
0x6a: {  	_ =	shalt  }
0x6b: {  	_ =	shalt  }
0x6c: {  	_ =	shalt  }
0x6d: {  	_ =	shalt  }
0x6e: {  	_ =	shalt  }
0x6f: {  	_ =	shalt  }
0x70: {  	_ =	shalt  }
0x71: {  	_ =	shalt  }
0x72: {  	_ =	shalt  }
0x73: {  	_ =	shalt  }
0x74: {  	_ =	shalt  }
0x75: {  	_ =	shalt  }
0x76: {  	_ =	shalt  }
0x77: {  	_ =	shalt  }
0x78: {  	_ =	shalt  }
0x79: {  	_ =	shalt  }
0x7a: {  	_ =	shalt  }
0x7b: {  	_ =	shalt  }
0x7c: {  	_ =	shalt  }
0x7d: {  	_ =	shalt  }
0x7e: {  	_ =	shalt  }
0x7f: {  	_ =	shalt  }
0x80: {  	_ =	shalt  }
0x81: {  	_ =	shalt  }
0x82: {  	_ =	shalt  }
0x83: {  	_ =	shalt  }
0x84: {  	_ =	shalt  }
0x85: {  	_ =	shalt  }
0x86: {  	_ =	shalt  }
0x87: {  	_ =	shalt  }
.Lfunc_end0:
.L_simem_size_0:
called_computation_lowered:
.L_overlay_start_0:
0x88: {  	s2 =	sld [smem:$0x3FD9]  }
0x89: {  	s3 =	sld [smem:$0x3FFE];
	_ =	sdelay $0x1  }
0x8a: {  	s1 =	srdreg.scid  }
0x8b: {  	s0 =	sand.u32 $0x1, s1  }
0x8c: {  	s17 =	sshll.u32 s0, $0xA;
	s2 =	sadd.s32 s3, s2  }
0x8d: {  	s2 =	sadd.s32 s2, s17  }
0x8e: {  	[smem:$0x3FC6] =	sst s2  }
0x8f: {  	_ = 	snop  }
0x90: {  	s2 =	sld [smem:$0x3FC9]  }
0x91: {  	s18 =	sld [smem:$0x3FC8];
	(tm) =	ssettm $0x1  }
0x92: {  	s4 =	sld [smem:$0x3FFB];
	_ =	sdelay $0x3  }
0x93: {  	_ =	strace s4  }
0x94: {  	s4 =	sld [smem:$0x3FFC];
	_ =	sdelay $0x3  }
0x95: {  	_ =	strace s4  }
0x96: {  	s4 =	sld [smem:$0x3FFD];
	_ =	sdelay $0x3  }
0x97: {  	_ =	strace s4  }
0x98: {  	_ =	strace $0x8FFFFFFF  }
0x99: {  	s19 =	sld [smem:$0x3FDB];
	_ =	sdelay $0x1  }
0x9a: {  	s5 =	simm.s32 $_scs_section_size  }
0x9b: {  	s6 =	simm.s32 $_size__tile_overlayer_lowered;
	s7 =	simm.s32 $_tile_overlayer_lowered  }
0x9c: {  	s22 =	simm.s32 $0x1BFF;
	s21 =	sshll.u32 s7, $0x1;
	s4 =	sadd.s32 s5, s19  }
0x9d: {  	s8 =	simm.s32 $0x0;
	s20 =	sshll.u32 s6, $0x1;
	s6 =	sadd.s32 s21, s4  }
0x9e: {  	[timem:s8], [sflag:s22] =	dma.local [hbm:s6], s20  }
0x9f: {  	_ =	swait.ge [sflag:s22], s20  }
0xa0: {  	s5 =	ssub.s32 $0x0, s20;
	[sflag:s22] =	ssyncset.done $0x0  }
0xa1: {  	[sflag:s22] =	ssyncadd.s32 s5;
	_ =	sdelay $0x1  }
0xa2: {  	s23 =	simm.s32 $0x1B8B  }
0xa3: {  	_ =	swait.ge [sflag:s23], $0x1  }
0xa4: {  	[sflag:s23] =	ssyncset.done $0x0  }
0xa5: {  	s25 =	simm.s32 $0x1B8E;
	s24 =	sld [smem:$0x3FFE];
	[sflag:s23] =	ssyncadd.s32 $0xFFFFFFFF  }
0xa6: {  	s26 =	simm.s32 $execute0_lowered;
	[smem:$0x3FD2] =	sst s25  }
0xa7: {  	s6 =	sshll.u32 s26, $0x1;
	_ =	strace $0x80000046;
	[dreg:$0x1] =	wrdreg $0xFFFFFFFF  }
0xa8: {  	s28 =	simm.s32 $_size_execute0_lowered;
	s4 =	sadd.s32 s4, s6;
	[dreg:$0x0] =	wrdreg $0x0  }
0xa9: {  	s6 =	sshll.u32 s28, $0x1;
	[dreg:$0x2] =	wrdreg s4  }
0xaa: {  	[dreg:$0x3] =	wrdreg s6  }
0xab: {  	[dreg:$0x4] =	wrdreg $0xC0  }
0xac: {  	_ =	task [dreg:s8], $0x5FFFF  }
0xad: {  	[dreg:$0x1] =	wrdreg $0xFFFFFFFF  }
0xae: {  	[dreg:$0x0] =	wrdreg $0x60  }
0xaf: {  	[dreg:$0x2] =	wrdreg s2  }
0xb0: {  	[dreg:$0x3] =	wrdreg s18  }
0xb1: {  	[dreg:$0x4] =	wrdreg s24  }
0xb2: {  	[dreg:$0x5] =	wrdreg $0x9  }
0xb3: {  	_ =	task.clear_ibuf [dreg:s8], $0x6FFFF;
	_ =	strace $0x90000046  }
0xb4: {  	s29 =	simm.s32 $0x9;
	_ =	strace $0x80000048  }
0xb5: {  	_ =	swait.ge [sflag:s29], $0x1  }
0xb6: {  	[sflag:s29] =	ssyncadd.s32 $0xFFFFFFFF  }
0xb7: {  	_ =	strace $0x90000048  }
0xb8: {  	_ =	sfence  }
0xb9: {  	s30 =	sld [smem:$0x0];
	_ =	sdelay $0x2  }
0xba: {  	s31 =	sshll.u32 s1, $0xD;
	s1 =	sshrl.u32 s1, $0x2  }
0xbb: {  	s3 =	sand.u32 $0x4000, s31;
	s1 =	sadd.s32 s1, s30  }
0xbc: {  	s0 =	sor.u32 s3, s0;
	s1 =	sshll.u32 s1, $0x11  }
0xbd: {  	s0 =	sor.u32 s1, s0  }
0xbe: {  	s0 =	sadd.s32 $0x8F2B, s0  }
0xbf: {  	[sflag:s0] =	ssyncadd.remote.s32 $0x1  }
0xc0: {  	_ =	sfence.sel $0xFFFF  }
0xc1: {  	[dreg:$0x0] =	wrdreg $0xFFFFFFFF;
	(pc) =	sbr.abs _section_cstart, $3  }
0xc2: {  	[dreg:$0x1] =	wrdreg $0xFFFFFFFF  }
0xc3: {  	_ =	task.clear_ibuf [dreg:s8], $0x2FFFF;
	_ =	strace $0x9FFFFFFF  }
0xc4: {  	(tm) =	ssettm $0x7FFFFFFF  }
0xc5: {  	_ =	shalt  }
tec
execute0_lowered:
.L_overlay_start_1:
0x0: {  	(tag) =	ssettag $0x1  }
0x1: {  	s4 =	rddreg [dreg:$0x0]  }
0x2: {  	s2 =	rddreg [dreg:$0x1];
	s1 =	srdreg.scid  }
0x3: {  	s0 =	stileid.u32;
	s5 =	rddreg [dreg:$0x2];
	s12 =	simm.s32 $0x80000000  }
0x4: {  	s13 =	simm.s32 $0x10080;
	s14 =	simm.s32 $0x0;
	s6 =	sand.u32 $0x1, s1  }
0x5: {  	s3 =	sshll.u32 s0, $0x1;
	s1 =	rddreg [dreg:$0x3];
	s8 =	sshrl.u32 s0, $0x2  }
0x6: {  	s31 =	sshll.u32 s0, $0x3;
	s7 =	sor.u32 s6, s3;
	s3 =	simm.s32 $0x0  }
0x7: {  	s10 =	sshll.u32 s8, $0xA;
	s6 =	ssub.s32 $0x2, s6;
	s8 =	sshll.u32 s8, $0x12  }
0x8: {  	s9 =	sshll.u32 s7, $0x7;
	[smem:$0x7FF] =	sst s3;
	s11 =	sshrl.u32 s6, $0x1  }
0x9: {  	s7 =	sand.u32 $0xF, s7;
	s9 =	sand.u32 $0x380, s9;
	_ =	strace $0x80000047  }
0xa: {  	s6 =	ssub.s32 s6, s11;
	v1 =	vmov s7;
	s7 =	simm.s32 $0x10000;
	s11 =	simm.s32 $0x400  }
0xb: {  	s10 =	sor.u32 s10, s9;
	s8 =	sor.u32 s8, s9;
	s9 =	sand.u32 $0x40, s31  }
0xc: {  	v0 =	vlaneseq.u32;
	v2 =	vimm.f32 $0.0e+00;
	v3 =	vimm.f32 $-Inf;
	s6 =	smax.u32 s6, $0x1;
	s10 =	sshrl.u32 s10, $0x3;
	s8 =	sshrl.u32 s8, $0x3  }
0xd: {  	v4 =	vimm.f32 $1.000000000e+00;
	vm1 =	vmmov $0x1;
	vm2 =	vcmask $0x30C;
	s9 =	sshrl.u32 s9, $0x2;
	s5 =	sadd.s32 s10, s5;
	s4 =	sadd.s32 s4, s8  }
0xe: {  	vm3 =	vcmask $0x70C;
	vm0 =	veq.s32 v1, v0;
	v1 =	vimm.s32 $0x80000000;
	s8 =	simm.s32 $0x1;
	s10 =	simm.s32 $0x80;
	s5 =	sadd.s32 $0xA00, s5  }
.LBB2_1:
0xf: {  	[tilespmem:s7], [sflag:$0x1] =	stream.linear.gather [hbm4b:s2+s3], $0x80, $0x38;
	[tilespmem:$0x10200] =	vst v63  }
0x10: {  	_ =	swait.ge [sflag:s8], $0x80  }
0x11: {  	[sflag:s8] =	ssyncset.done $0x0  }
0x12: {  	[sflag:s8] =	ssyncadd.s32 $0xFFFFFF80  }
0x13: {  	v5 =	vld [tilespmem:s9+$0x10000];
	_ =	sdelay $0x2  }
0x14: {  	[tilespmem:s3], [sflag:$0x1] =	stream.strided.gather [hbm4b:s4+s10], $0x8000, s11, s10, $0x38;
	[tilespmem:$0x10200] =	vst v63  }
0x15: {  	_ =	swait.ge [sflag:s8], $0x8000  }
0x16: {  	[sflag:s8] =	ssyncset.done $0x0;
	v5 =	vcvt.s32.f32 v5  }
0x17: {  	[sflag:s8] =	ssyncadd.s32 $0xFFFF8000  }
0x18: {  	[tilespmem:$0x10110] =	vst v3;
	v5 =	vnsel vm0, $0xBF800000, v5  }
0x19: {  	[tilespmem:$0x10100] =	vst v5  }
0x1a: {  	v6 =	vld [tilespmem:$0x10108];
	_ =	sdelay $0x4  }
0x1b: {  	v5 =	vmax.f32 v5, v6  }
0x1c: {  	[tilespmem:$0x10100] =	vst v5  }
0x1d: {  	v6 =	vld [tilespmem:$0x10104];
	_ =	sdelay $0x4  }
0x1e: {  	v5 =	vmax.f32 v5, v6  }
0x1f: {  	[tilespmem:$0x10100] =	vst v5  }
0x20: {  	v6 =	vld [tilespmem:$0x10102];
	_ =	sdelay $0x4  }
0x21: {  	v5 =	vmax.f32 v5, v6  }
0x22: {  	[tilespmem:$0x10100] =	vst v5  }
0x23: {  	v6 =	vld [tilespmem:$0x10101];
	_ =	sdelay $0x4  }
0x24: {  	v5 =	vmax.f32 v5, v6  }
0x25: {  	(v2sf) =	vpush v5, $0x0;
	_ =	sdelay $0xe  }
0x26: {  	s15 =	spop (v2sf)  }
0x27: {  	s15 =	scvt.f32.s32 s15;
	_ =	sdelay $0x1  }
0x28: {  	s16 =	sshra.s32 s15, $0x1F  }
0x29: {  	s16 =	sshrl.u32 s16, $0x1C  }
0x2a: {  	s16 =	sadd.s32 s16, s15  }
0x2b: {  	s17 =	sand.u32 $0xFFFFFFF0, s16  }
0x2c: {  	p0 =	slt.s32 s15, $0x1;
	p1 =	sne.s32 s15, s17  }
0x2d: {  	p0 =	por !p0, !p1  }
0x2e: {  	s17 =	simm.s32 $0x1;
	p0 =	por !p0, !p0  }
0x2f: {  	s16 =	sshrl.u32 s16, $0x4;
	s17 =	simm.s32 @!p0 $0x0  }
0x30: {  	s16 =	ssub.s32 s16, s17  }
0x31: {  	s16 =	sshll.u32 s16, $0x6  }
0x32: {  	s16 =	sshra.s32 s16, $0x2  }
0x33: {  	v5 =	vld [tilespmem:s16+$0x0];
	_ =	sdelay $0x2  }
0x34: {  	s15 =	sand.u32 $0xF, s15  }
0x35: {  	v6 =	vmov s15  }
0x36: {  	vm4 =	veq.s32 v6, v0;
	v6 =	vshra.s32 v5, $0x1F  }
0x37: {  	[tilespmem:$0x10110] =	vst v3;
	v6 =	vand.u32 $0x7FFFFFFF, v6  }
0x38: {  	[tilespmem:$0x10190] =	vst v1;
	v7 =	vnsel vm4, $0xFF800000, v5;
	v5 =	vxor.u32 v5, v6  }
0x39: {  	[tilespmem:$0x10100] =	vst v7;
	v5 =	vnsel vm4, $0x80000000, v5  }
0x3a: {  	v6 =	vld [tilespmem:$0x10108];
	[tilespmem:$0x10180] =	vst v5  }
0x3b: {  	v8 =	vld [tilespmem:$0x10188];
	_ =	sdelay $0x4  }
0x3c: {  	v6 =	vmax.f32 v7, v6;
	vm4 =	vgt.s32 v5, v8  }
0x3d: {  	[tilespmem:$0x10100] =	vst v6;
	v5 =	vsel vm4, v5, v8  }
0x3e: {  	v7 =	vld [tilespmem:$0x10104];
	[tilespmem:$0x10180] =	vst v5  }
0x3f: {  	v8 =	vld [tilespmem:$0x10184];
	_ =	sdelay $0x4  }
0x40: {  	v6 =	vmax.f32 v6, v7;
	vm4 =	vgt.s32 v5, v8  }
0x41: {  	[tilespmem:$0x10100] =	vst v6;
	v7 =	vsel vm4, v5, v8  }
0x42: {  	v5 =	vld [tilespmem:$0x10102];
	[tilespmem:$0x10180] =	vst v7  }
0x43: {  	v8 =	vld [tilespmem:$0x10182];
	_ =	sdelay $0x4  }
0x44: {  	v5 =	vmax.f32 v6, v5;
	vm4 =	vgt.s32 v7, v8  }
0x45: {  	[tilespmem:$0x10100] =	vst v5;
	v7 =	vsel vm4, v7, v8  }
0x46: {  	s15 =	simm.s32 $0x0;
	[tilespmem:$0x10180] =	vst v7  }
0x47: {  	v11 =	vld [tilespmem:s15+$0x60]  }
0x48: {  	v13 =	vld [tilespmem:s15+$0x70]  }
0x49: {  	v9 =	vld [tilespmem:s15+$0x40]  }
0x4a: {  	v20 =	vld [tilespmem:s15+$0x50]  }
0x4b: {  	v16 =	vld [tilespmem:s15+$0x20]  }
0x4c: {  	v22 =	vld [tilespmem:s15+$0x0]  }
0x4d: {  	v23 =	vld [tilespmem:s15+$0x10]  }
0x4e: {  	v21 =	vld [tilespmem:s15+$0x30]  }
0x4f: {  	v6 =	vshra.s32 v11, $0x1F;
	v8 =	vshra.s32 v13, $0x1F  }
0x50: {  	v10 =	vshra.s32 v9, $0x1F;
	v24 =	vshra.s32 v16, $0x1F;
	vm5 =	vgt.s32 v11, $0xFFFFFFFF  }
0x51: {  	vm4 =	vgt.s32 v13, $0xFFFFFFFF;
	vm6 =	vgt.s32 v16, $0xFFFFFFFF;
	vm7 =	vgt.s32 v9, $0xFFFFFFFF  }
0x52: {  	vm8 =	vgt.s32 v20, $0xFFFFFFFF;
	vm9 =	vgt.s32 v22, $0xFFFFFFFF;
	vm10 =	vgt.s32 v23, $0xFFFFFFFF  }
0x53: {  	vm11 =	vgt.s32 v21, $0xFFFFFFFF;
	v6 =	vand.u32 $0x7FFFFFFF, v6;
	v17 =	vsel vm10, $0x3F800000, v2  }
0x54: {  	v19 =	vsel vm5, $0x3F800000, v2;
	v18 =	vsel vm6, $0x3F800000, v2;
	v12 =	vxor.u32 v11, v6  }
0x55: {  	v6 =	vand.u32 $0x7FFFFFFF, v8;
	v8 =	vand.u32 $0x7FFFFFFF, v10;
	v10 =	vshra.s32 v20, $0x1F  }
0x56: {  	v14 =	vxor.u32 v13, v6;
	v25 =	vand.u32 $0x7FFFFFFF, v10;
	v6 =	vld [tilespmem:$0x10101];
	v10 =	vsel vm9, $0x3F800000, v2  }
0x57: {  	v26 =	vsel vm11, $0x3F800000, v2;
	v15 =	vxor.u32 v9, v8;
	v8 =	vld [tilespmem:$0x10181];
	[tilespmem:s15+$0x8060] =	vst v12;
	v10 =	vadd.f32 v10, v2  }
0x58: {  	v24 =	vand.u32 $0x7FFFFFFF, v24;
	v12 =	vmax.f32 v3, v22;
	[tilespmem:s15+$0x8040] =	vst v15;
	v15 =	vadd.f32 v17, v2  }
0x59: {  	v17 =	vsel vm7, $0x3F800000, v2;
	v12 =	vmax.f32 v12, v16;
	v10 =	vadd.f32 v18, v10  }
0x5a: {  	[tilespmem:s15+$0x8070] =	vst v14;
	v12 =	vmax.f32 v12, v9;
	v14 =	vadd.f32 v26, v15;
	v15 =	vmax.f32 v3, v23  }
0x5b: {  	s16 =	simm.s32 $0x80;
	v18 =	vsel vm8, $0x3F800000, v2;
	v15 =	vmax.f32 v15, v21;
	v26 =	vadd.f32 v17, v10  }
0x5c: {  	v9 =	vld [tilespmem:s16+$0x60];
	v27 =	vadd.f32 v18, v14;
	v14 =	vmax.f32 v15, v20;
	v18 =	vmax.f32 v12, v11  }
0x5d: {  	v10 =	vld [tilespmem:s16+$0x70];
	v11 =	vsel vm4, $0x3F800000, v2;
	v20 =	vxor.u32 v20, v25;
	v17 =	vmax.f32 v14, v13  }
0x5e: {  	v12 =	vld [tilespmem:s16+$0x40];
	v13 =	vshra.s32 v22, $0x1F;
	v14 =	vadd.f32 v19, v26;
	v15 =	vadd.f32 v11, v27  }
0x5f: {  	v19 =	vld [tilespmem:s16+$0x50];
	v11 =	vshra.s32 v23, $0x1F;
	v26 =	vand.u32 $0x7FFFFFFF, v13;
	v27 =	vshra.s32 v21, $0x1F  }
0x60: {  	v13 =	vld [tilespmem:s16+$0x20];
	v28 =	vand.u32 $0x7FFFFFFF, v11;
	v22 =	vxor.u32 v22, v26;
	v26 =	vand.u32 $0x7FFFFFFF, v27  }
0x61: {  	v11 =	vld [tilespmem:s16+$0x30];
	v27 =	vxor.u32 v23, v28;
	[tilespmem:s15+$0x8000] =	vst v22;
	v22 =	vxor.u32 v16, v24;
	v23 =	vshra.s32 v9, $0x1F  }
0x62: {  	s17 =	simm.s32 $0x400;
	v21 =	vxor.u32 v21, v26;
	v16 =	vld [tilespmem:s16+$0x0];
	v24 =	vand.u32 $0x7FFFFFFF, v23;
	v23 =	vshra.s32 v10, $0x1F;
	[tilespmem:s15+$0x8010] =	vst v27  }
.LBB2_2:
0x63: {  	p0 =	sne.s32 s17, $0x1FE00;
	v25 =	vld [tilespmem:s16+$0x10];
	v26 =	vshra.s32 v12, $0x1F;
	v24 =	vxor.u32 v9, v24;
	v23 =	vand.u32 $0x7FFFFFFF, v23;
	[tilespmem:s15+$0x8020] =	vst v22  }
0x64: {  	v22 =	vand.u32 $0x7FFFFFFF, v26;
	v26 =	vshra.s32 v19, $0x1F;
	v23 =	vxor.u32 v10, v23;
	[tilespmem:s15+$0x8030] =	vst v21;
	v27 =	vmovc v19  }
0x65: {  	v19 =	vshra.s32 v13, $0x1F;
	v21 =	vxor.u32 v12, v22;
	v26 =	vand.u32 $0x7FFFFFFF, v26;
	[tilespmem:s15+$0x8050] =	vst v20;
	s15 =	smov.u32 s16  }
0x66: {  	vm5 =	vgt.s32 v9, $0xFFFFFFFF;
	vm4 =	vgt.s32 v10, $0xFFFFFFFF;
	v20 =	vshra.s32 v11, $0x1F;
	[tilespmem:s15+$0x8040] =	vst v21  }
0x67: {  	vm7 =	vgt.s32 v12, $0xFFFFFFFF;
	vm6 =	vgt.s32 v13, $0xFFFFFFFF;
	vm8 =	vgt.s32 v27, $0xFFFFFFFF;
	[tilespmem:s15+$0x8060] =	vst v24  }
0x68: {  	vm11 =	vgt.s32 v11, $0xFFFFFFFF;
	vm9 =	vgt.s32 v16, $0xFFFFFFFF;
	vm10 =	vgt.s32 v25, $0xFFFFFFFF;
	[tilespmem:s15+$0x8070] =	vst v23  }
0x69: {  	v21 =	vsel vm9, $0x3F800000, v2;
	v23 =	vsel vm5, $0x3F800000, v2;
	v22 =	vsel vm10, $0x3F800000, v2  }
0x6a: {  	v14 =	vadd.f32 v21, v14;
	v21 =	vsel vm7, $0x3F800000, v2;
	v15 =	vadd.f32 v22, v15  }
0x6b: {  	v18 =	vmax.f32 v18, v16;
	v24 =	vsel vm11, $0x3F800000, v2;
	v22 =	vsel vm6, $0x3F800000, v2  }
0x6c: {  	v18 =	vmax.f32 v18, v13;
	v14 =	vadd.f32 v22, v14;
	v15 =	vadd.f32 v24, v15  }
0x6d: {  	v17 =	vmax.f32 v17, v25;
	v12 =	vmax.f32 v18, v12;
	v18 =	vsel vm8, $0x3F800000, v2  }
0x6e: {  	s16 =	sshra.s32 s17, $0x2;
	v17 =	vmax.f32 v17, v11;
	v14 =	vadd.f32 v21, v14;
	v15 =	vadd.f32 v18, v15  }
0x6f: {  	v17 =	vmax.f32 v17, v27;
	v18 =	vmax.f32 v12, v9;
	v12 =	vsel vm4, $0x3F800000, v2;
	v9 =	vld [tilespmem:s16+$0x60]  }
0x70: {  	v17 =	vmax.f32 v17, v10;
	v14 =	vadd.f32 v23, v14;
	v10 =	vld [tilespmem:s16+$0x70];
	v15 =	vadd.f32 v12, v15  }
.Ltmp0:
0x71: {  	v22 =	vshra.s32 v25, $0x1F;
	v21 =	vshra.s32 v16, $0x1F;
	v23 =	vand.u32 $0x7FFFFFFF, v19;
	v12 =	vld [tilespmem:s16+$0x40];
	(pc) =	sbr.rel @p0 .LBB2_2-.Ltmp0, $4  }
0x72: {  	v20 =	vand.u32 $0x7FFFFFFF, v20;
	v22 =	vand.u32 $0x7FFFFFFF, v22;
	v21 =	vand.u32 $0x7FFFFFFF, v21;
	v19 =	vld [tilespmem:s16+$0x50]  }
0x73: {  	v25 =	vxor.u32 v25, v22;
	v16 =	vxor.u32 v16, v21;
	v22 =	vxor.u32 v13, v23;
	v13 =	vld [tilespmem:s16+$0x20]  }
0x74: {  	v21 =	vxor.u32 v11, v20;
	v20 =	vxor.u32 v27, v26;
	v23 =	vshra.s32 v9, $0x1F;
	[tilespmem:s15+$0x8000] =	vst v16;
	v11 =	vld [tilespmem:s16+$0x30]  }
0x75: {  	s17 =	sadd.s32 $0x200, s17;
	v16 =	vld [tilespmem:s16+$0x0];
	v24 =	vand.u32 $0x7FFFFFFF, v23;
	v23 =	vshra.s32 v10, $0x1F;
	[tilespmem:s15+$0x8010] =	vst v25  }
0x76: {  	v25 =	vld [tilespmem:s16+$0x10];
	[tilespmem:s15+$0x8020] =	vst v22  }
0x77: {  	v26 =	vshra.s32 v12, $0x1F;
	v35 =	vxor.u32 v9, v24;
	[tilespmem:s15+$0x8030] =	vst v21;
	v37 =	vand.u32 $0x7FFFFFFF, v23  }
0x78: {  	[tilespmem:s15+$0x8050] =	vst v20;
	v36 =	vand.u32 $0x7FFFFFFF, v26;
	v38 =	vshra.s32 v19, $0x1F;
	v39 =	vxor.u32 v10, v37  }
0x79: {  	[tilespmem:s16+$0x8060] =	vst v35;
	v24 =	vxor.u32 v12, v36;
	v40 =	vshra.s32 v13, $0x1F;
	v23 =	vand.u32 $0x7FFFFFFF, v38  }
0x7a: {  	[tilespmem:s16+$0x8070] =	vst v39;
	v43 =	vshra.s32 v11, $0x1F;
	v21 =	vand.u32 $0x7FFFFFFF, v40;
	v48 =	vxor.u32 v19, v23  }
0x7b: {  	[tilespmem:s16+$0x8040] =	vst v24;
	v41 =	vshra.s32 v16, $0x1F;
	v18 =	vmax.f32 v18, v16;
	v46 =	vand.u32 $0x7FFFFFFF, v43  }
0x7c: {  	v21 =	vxor.u32 v13, v21;
	[tilespmem:s16+$0x8050] =	vst v48;
	v42 =	vshra.s32 v25, $0x1F;
	v24 =	vand.u32 $0x7FFFFFFF, v41  }
0x7d: {  	v17 =	vmax.f32 v17, v25;
	v18 =	vmax.f32 v18, v13;
	v47 =	vxor.u32 v11, v46;
	[tilespmem:s16+$0x8020] =	vst v21  }
0x7e: {  	v44 =	vand.u32 $0x7FFFFFFF, v42;
	v45 =	vxor.u32 v16, v24;
	v17 =	vmax.f32 v17, v11;
	[tilespmem:s16+$0x8030] =	vst v47  }
0x7f: {  	v18 =	vmax.f32 v18, v12;
	v20 =	vxor.u32 v25, v44;
	[tilespmem:s16+$0x8000] =	vst v45;
	v17 =	vmax.f32 v17, v19  }
0x80: {  	v18 =	vmax.f32 v18, v9;
	[tilespmem:s16+$0x8010] =	vst v20;
	v17 =	vmax.f32 v17, v10  }
0x81: {  	v17 =	vmax.f32 v18, v17;
	[tilespmem:$0x10110] =	vst v3  }
0x82: {  	[tilespmem:$0x10100] =	vst v17  }
0x83: {  	v49 =	vld [tilespmem:$0x10108];
	_ =	sdelay $0x4  }
0x84: {  	v17 =	vmax.f32 v17, v49  }
0x85: {  	[tilespmem:$0x10100] =	vst v17  }
0x86: {  	v50 =	vld [tilespmem:$0x10104];
	_ =	sdelay $0x2  }
0x87: {  	vm4 =	vgt.s32 v13, $0xFFFFFFFF;
	vm5 =	vgt.s32 v16, $0xFFFFFFFF;
	vm6 =	vgt.s32 v25, $0xFFFFFFFF  }
0x88: {  	v51 =	vsel vm5, $0x3F800000, v2;
	vm5 =	vgt.s32 v11, $0xFFFFFFFF;
	v52 =	vsel vm6, $0x3F800000, v2  }
0x89: {  	v11 =	vadd.f32 v51, v14;
	v53 =	vadd.f32 v52, v15;
	v17 =	vmax.f32 v17, v50  }
0x8a: {  	vm15 =	vgt.s32 v12, $0xFFFFFFFF;
	v54 =	vsel vm4, $0x3F800000, v2;
	v55 =	vsel vm5, $0x3F800000, v2;
	[tilespmem:$0x10100] =	vst v17  }
0x8b: {  	vm4 =	vgt.s32 v19, $0xFFFFFFFF;
	v11 =	vadd.f32 v54, v11;
	v57 =	vadd.f32 v55, v53;
	v56 =	vld [tilespmem:$0x10102]  }
0x8c: {  	v58 =	vsel vm4, $0x3F800000, v2;
	vm5 =	vgt.s32 v9, $0xFFFFFFFF;
	v9 =	vsel vm15, $0x3F800000, v2  }
0x8d: {  	vm4 =	vgt.s32 v10, $0xFFFFFFFF;
	v9 =	vadd.f32 v9, v11;
	v10 =	vadd.f32 v58, v57  }
0x8e: {  	v59 =	vsel vm4, $0x3F800000, v2;
	v11 =	vsel vm5, $0x3F800000, v2  }
0x8f: {  	v11 =	vadd.f32 v11, v9;
	v10 =	vadd.f32 v59, v10  }
0x90: {  	v9 =	vmax.f32 v17, v56  }
0x91: {  	v11 =	vadd.f32 v10, v11;
	[tilespmem:$0x10100] =	vst v9  }
0x92: {  	v10 =	vld [tilespmem:$0x10101];
	[tilespmem:$0x10110] =	vst v2  }
0x93: {  	[tilespmem:$0x10100] =	vst v11  }
0x94: {  	v60 =	vld [tilespmem:$0x10108];
	_ =	sdelay $0x4  }
0x95: {  	v11 =	vadd.f32 v60, v11;
	_ =	sdelay $0x1  }
0x96: {  	[tilespmem:$0x10100] =	vst v11  }
0x97: {  	v61 =	vld [tilespmem:$0x10104];
	_ =	sdelay $0x4  }
0x98: {  	v11 =	vadd.f32 v61, v11;
	_ =	sdelay $0x1  }
0x99: {  	[tilespmem:$0x10100] =	vst v11  }
0x9a: {  	v62 =	vld [tilespmem:$0x10102];
	_ =	sdelay $0x4  }
0x9b: {  	v11 =	vadd.f32 v62, v11;
	_ =	sdelay $0x1  }
0x9c: {  	[tilespmem:$0x10100] =	vst v11  }
0x9d: {  	v63 =	vld [tilespmem:$0x10101]  }
0x9e: {  	vm4 =	vgt.s32 v7, v8  }
0x9f: {  	v7 =	vsel vm4, v7, v8  }
0xa0: {  	(v2sf) =	vpush v7, $0x0  }
0xa1: {  	(v2sf) =	vpush v11, $0x0  }
0xa2: {  	(v2sf) =	vpush v63, $0x0;
	_ =	sdelay $0xc  }
0xa3: {  	s15 =	spop (v2sf)  }
0xa4: {  	s31 =	spop (v2sf)  }
0xa5: {  	s17 =	spop (v2sf)  }
0xa6: {  	p0 =	sgt.s32 s15, $0xFFFFFFFF;
	s16 =	sadd.f32 s17, s31;
	s17 =	simm.f32 $1.000000000e+00  }
0xa7: {  	s17 =	simm.s32 @!p0 $0x0  }
0xa8: {  	s16 =	ssub.f32 s16, s17;
	_ =	sdelay $0x1  }
0xa9: {  	p0 =	sge.f32 s16, $1.638300000e+04  }
0xaa: {  	s17 =	simm.s32 $0x0  }
0xab: {  	s18 =	simm.s32 $0x1;
	s17 =	simm.s32 @!p0 $0x80000000;
	s16 =	simm.s32 @!p0 $0x46FFFE00  }
.LBB2_4:
0xac: {  	s21 =	simm.s32 $0x0  }
0xad: {  	v8 =	vld [tilespmem:s21+$0x8010]  }
0xae: {  	v11 =	vld [tilespmem:s21+$0x8000]  }
0xaf: {  	v12 =	vld [tilespmem:s21+$0x8020]  }
0xb0: {  	v13 =	vld [tilespmem:s21+$0x8030]  }
0xb1: {  	s19 =	sshrl.u32 s12, s18;
	v17 =	vld [tilespmem:s21+$0x8040]  }
0xb2: {  	v14 =	vld [tilespmem:s21+$0x8060];
	s19 =	sor.u32 s19, s17  }
0xb3: {  	v18 =	vimm.f32 $0.0e+00;
	v16 =	vld [tilespmem:s21+$0x8070];
	v7 =	vmov s19  }
0xb4: {  	s20 =	simm.s32 $0x80;
	v20 =	vld [tilespmem:s21+$0x8050];
	vm4 =	vlt.s32 v11, v7;
	vm5 =	vlt.s32 v8, v7;
	vm6 =	vlt.s32 v12, v7  }
0xb5: {  	v21 =	vld [tilespmem:s20+$0x8010];
	v19 =	vsel vm4, $0x0, v4;
	v8 =	vsel vm6, $0x0, v4;
	vm4 =	vlt.s32 v13, v7  }
0xb6: {  	v22 =	vld [tilespmem:s20+$0x8000];
	vm6 =	vlt.s32 v17, v7;
	v8 =	vadd.f32 v8, v18;
	v11 =	vsel vm4, $0x0, v4  }
0xb7: {  	v15 =	vld [tilespmem:s20+$0x8020];
	vm4 =	vlt.s32 v14, v7;
	v17 =	vsel vm6, $0x0, v4;
	v19 =	vadd.f32 v19, v18  }
0xb8: {  	v12 =	vld [tilespmem:s20+$0x8030];
	v13 =	vadd.f32 v11, v18;
	v11 =	vsel vm4, $0x0, v4;
	vm4 =	vlt.s32 v16, v7  }
0xb9: {  	v16 =	vsel vm5, $0x0, v4;
	v8 =	vadd.f32 v11, v8;
	v14 =	vsel vm4, $0x0, v4;
	v11 =	vld [tilespmem:s20+$0x8060]  }
0xba: {  	vm6 =	vlt.s32 v20, v7;
	v18 =	vadd.f32 v16, v18;
	v14 =	vadd.f32 v14, v13;
	v13 =	vld [tilespmem:s20+$0x8070]  }
0xbb: {  	s21 =	simm.s32 $0x400;
	vm5 =	vlt.s32 v22, v7;
	v20 =	vsel vm6, $0x0, v4;
	vm4 =	vlt.s32 v21, v7;
	v16 =	vld [tilespmem:s20+$0x8040]  }
.LBB2_5:
0xbc: {  	p0 =	sne.s32 s21, $0x1FE00;
	vm6 =	vlt.s32 v15, v7;
	v21 =	vld [tilespmem:s20+$0x8050];
	s20 =	sshra.s32 s21, $0x2;
	s21 =	sadd.s32 $0x200, s21;
	v19 =	vadd.f32 v17, v19;
	v18 =	vadd.f32 v20, v18  }
0xbd: {  	v22 =	vsel vm5, $0x0, v4;
	v20 =	vld [tilespmem:s20+$0x8010];
	v15 =	vsel vm6, $0x0, v4;
	vm5 =	vlt.s32 v12, v7  }
0xbe: {  	v23 =	vld [tilespmem:s20+$0x8000];
	v8 =	vadd.f32 v15, v8;
	v12 =	vsel vm5, $0x0, v4;
	vm5 =	vlt.s32 v11, v7  }
.Ltmp1:
0xbf: {  	v15 =	vld [tilespmem:s20+$0x8020];
	v14 =	vadd.f32 v12, v14;
	v11 =	vsel vm5, $0x0, v4;
	vm5 =	vlt.s32 v13, v7;
	(pc) =	sbr.rel @p0 .LBB2_5-.Ltmp1, $4  }
0xc0: {  	v12 =	vld [tilespmem:s20+$0x8030];
	vm6 =	vlt.s32 v16, v7;
	v8 =	vadd.f32 v11, v8;
	v13 =	vsel vm5, $0x0, v4  }
0xc1: {  	v16 =	vsel vm4, $0x0, v4;
	v11 =	vld [tilespmem:s20+$0x8060];
	v17 =	vsel vm6, $0x0, v4;
	v14 =	vadd.f32 v13, v14  }
0xc2: {  	v19 =	vadd.f32 v22, v19;
	v18 =	vadd.f32 v16, v18;
	vm6 =	vlt.s32 v21, v7;
	v13 =	vld [tilespmem:s20+$0x8070]  }
0xc3: {  	vm4 =	vlt.s32 v20, v7;
	v20 =	vsel vm6, $0x0, v4;
	vm5 =	vlt.s32 v23, v7;
	v16 =	vld [tilespmem:s20+$0x8040]  }
0xc4: {  	vm6 =	vlt.s32 v15, v7  }
0xc5: {  	v55 =	vld [tilespmem:s20+$0x8050];
	v17 =	vadd.f32 v17, v19;
	v56 =	vsel vm5, $0x0, v4;
	v57 =	vadd.f32 v20, v18  }
0xc6: {  	v61 =	vsel vm4, $0x0, v4;
	vm5 =	vlt.s32 v12, v7;
	v58 =	vsel vm6, $0x0, v4  }
0xc7: {  	v59 =	vsel vm5, $0x0, v4;
	v8 =	vadd.f32 v58, v8;
	v62 =	vadd.f32 v56, v17  }
0xc8: {  	vm5 =	vlt.s32 v11, v7;
	v12 =	vadd.f32 v61, v57;
	v11 =	vadd.f32 v59, v14  }
0xc9: {  	v60 =	vsel vm5, $0x0, v4;
	vm5 =	vlt.s32 v13, v7;
	vm15 =	vlt.s32 v16, v7  }
0xca: {  	v8 =	vadd.f32 v60, v8;
	v13 =	vsel vm5, $0x0, v4;
	vm4 =	vlt.s32 v55, v7  }
0xcb: {  	v7 =	vsel vm15, $0x0, v4;
	v11 =	vadd.f32 v13, v11;
	v63 =	vsel vm4, $0x0, v4  }
0xcc: {  	v7 =	vadd.f32 v7, v62;
	v12 =	vadd.f32 v63, v12;
	_ =	sdelay $0x1  }
0xcd: {  	v8 =	vadd.f32 v11, v8;
	v7 =	vadd.f32 v12, v7;
	_ =	sdelay $0x1  }
0xce: {  	v7 =	vadd.f32 v8, v7  }
0xcf: {  	[tilespmem:$0x10110] =	vst v2  }
0xd0: {  	[tilespmem:$0x10100] =	vst v7  }
0xd1: {  	v8 =	vld [tilespmem:$0x10108];
	_ =	sdelay $0x4  }
0xd2: {  	v7 =	vadd.f32 v8, v7;
	_ =	sdelay $0x1  }
0xd3: {  	[tilespmem:$0x10100] =	vst v7  }
0xd4: {  	v8 =	vld [tilespmem:$0x10104];
	_ =	sdelay $0x4  }
0xd5: {  	v7 =	vadd.f32 v8, v7;
	_ =	sdelay $0x1  }
0xd6: {  	[tilespmem:$0x10100] =	vst v7  }
0xd7: {  	v8 =	vld [tilespmem:$0x10102];
	_ =	sdelay $0x4  }
0xd8: {  	v7 =	vadd.f32 v8, v7;
	_ =	sdelay $0x1  }
0xd9: {  	[tilespmem:$0x10100] =	vst v7  }
0xda: {  	v8 =	vld [tilespmem:$0x10101];
	_ =	sdelay $0x3  }
0xdb: {  	(v2sf) =	vpush v7, $0x0  }
0xdc: {  	(v2sf) =	vpush v8, $0x0;
	_ =	sdelay $0xd  }
0xdd: {  	s31 =	spop (v2sf)  }
0xde: {  	p0 =	slt.s32 s15, s19;
	s21 =	spop (v2sf)  }
0xdf: {  	s18 =	sadd.s32 $0x1, s18;
	s20 =	sadd.f32 s21, s31;
	s21 =	simm.f32 $0.0e+00  }
0xe0: {  	p1 =	sne.s32 s18, $0x20;
	s21 =	simm.s32 @!p0 $0x3F800000  }
.Ltmp2:
0xe1: {  	s20 =	ssub.f32 s20, s21;
	(pc) =	sbr.rel @p1 .LBB2_4-.Ltmp2, $3  }
0xe2: {  	_ = 	snop  }
0xe3: {  	p0 =	sge.f32 s20, $1.638300000e+04;
	_ =	sdelay $0x1  }
0xe4: {  	s17 =	smov.u32 @p0 s19;
	s16 =	smov.u32 @p0 s20  }
0xe5: {  	s18 =	simm.s32 $0x0  }
0xe6: {  	v12 =	vld [tilespmem:s18+$0x60]  }
0xe7: {  	v14 =	vld [tilespmem:s18+$0x70]  }
0xe8: {  	v15 =	vld [tilespmem:s18+$0x40]  }
0xe9: {  	v17 =	vld [tilespmem:s18+$0x50]  }
0xea: {  	v7 =	vmax.f32 v9, v10;
	v25 =	vld [tilespmem:s18+$0x0]  }
0xeb: {  	v7 =	vbroadcast v7, $0x0;
	v16 =	vld [tilespmem:s18+$0x10]  }
0xec: {  	v19 =	vld [tilespmem:s18+$0x20]  }
0xed: {  	v20 =	vld [tilespmem:s18+$0x30];
	v8 =	vsub.f32 v12, v7  }
0xee: {  	v9 =	vsub.f32 v15, v7;
	v11 =	vsub.f32 v14, v7  }
0xef: {  	v18 =	vsub.f32 v17, v7;
	v21 =	vsub.f32 v25, v7  }
0xf0: {  	v22 =	vmul.f32 $1.000000000e+01, v8;
	v8 =	vsub.f32 v16, v7;
	v23 =	vmul.f32 $1.000000000e+01, v11  }
0xf1: {  	v13 =	vsub.f32 v19, v7;
	v24 =	vmul.f32 $1.000000000e+01, v9;
	v11 =	vmul.f32 $1.000000000e+01, v21  }
0xf2: {  	v9 =	vsub.f32 v20, v7;
	v26 =	vmul.f32 $1.000000000e+01, v18;
	v18 =	vmul.f32 $1.000000000e+01, v8  }
0xf3: {  	v10 =	vmov s17;
	v13 =	vmul.f32 $1.000000000e+01, v13;
	v11 =	vmul.f32 $1.442695020e+00, v11  }
0xf4: {  	s31 =	simm.s32 $0x80;
	v10 =	vshra.s32 v10, $0x1F;
	v21 =	vmul.f32 $1.000000000e+01, v9;
	v27 =	vmul.f32 $1.442695020e+00, v18  }
0xf5: {  	v8 =	vand.u32 $0x7FFFFFFF, v10;
	v9 =	vld [tilespmem:s31+$0x60];
	v28 =	vmul.f32 $1.442695020e+00, v13;
	(erf) = vpow2.f32 v11  }
0xf6: {  	v10 =	vld [tilespmem:s31+$0x70];
	v8 =	vxor.u32 s17, v8;
	v21 =	vmul.f32 $1.442695020e+00, v21;
	(erf) = vpow2.f32 v27  }
0xf7: {  	v24 =	vmul.f32 $1.442695020e+00, v24;
	v13 =	vld [tilespmem:s31+$0x20];
	vm4 =	vge.f32 v12, v8;
	(erf) = vpow2.f32 v28  }
0xf8: {  	v11 =	vld [tilespmem:s31+$0x40];
	vm5 =	vge.f32 v14, v8;
	v14 =	vmul.f32 $1.442695020e+00, v26;
	(erf) = vpow2.f32 v21  }
0xf9: {  	v12 =	vld [tilespmem:s31+$0x50];
	vm6 =	vge.f32 v15, v8;
	v15 =	vmul.f32 $1.442695020e+00, v22;
	(erf) = vpow2.f32 v24  }
0xfa: {  	vm7 =	vge.f32 v17, v8;
	v17 =	vmul.f32 $1.442695020e+00, v23;
	(erf) = vpow2.f32 v14;
	v14 =	vld [tilespmem:s31+$0x30]  }
0xfb: {  	(erf) = vpow2.f32 v15;
	v15 =	vld [tilespmem:s31+$0x0]  }
0xfc: {  	v18 =	vimm.f32 $0.0e+00;
	(erf) = vpow2.f32 v17;
	v17 =	vld [tilespmem:s31+$0x10]  }
0xfd: {  	vm8 =	vge.f32 v19, v8;
	vm9 =	vge.f32 v20, v8;
	v20 =	vsub.f32 v13, v7  }
0xfe: {  	vm10 =	vge.f32 v25, v8;
	v21 =	vsub.f32 v9, v7;
	v22 =	vsub.f32 v11, v7  }
0xff: {  	s18 =	simm.s32 $0x400;
	v19 =	vimm.f32 $0.0e+00;
	v24 =	vsub.f32 v10, v7;
	v23 =	vsub.f32 v12, v7  }
.LBB2_8:
0x100: {  	p0 =	sne.s32 s18, $0x1FE00;
	v25 =	vsub.f32 v15, v7;
	v26 =	vsub.f32 v14, v7;
	vm11 =	vge.f32 v16, v8;
	v16 =	vpop (erf)  }
0x101: {  	v21 =	vmul.f32 $1.000000000e+01, v21;
	v24 =	vmul.f32 $1.000000000e+01, v24;
	v27 =	vsub.f32 v17, v7;
	v28 =	vpop (erf)  }
0x102: {  	v22 =	vmul.f32 $1.000000000e+01, v22;
	v16 =	vnsel vm10, $0x0, v16;
	v28 =	vnsel vm11, $0x0, v28;
	v29 =	vpop (erf)  }
0x103: {  	v23 =	vmul.f32 $1.000000000e+01, v23;
	v16 =	vadd.f32 v16, v18;
	v18 =	vadd.f32 v28, v19;
	v19 =	vpop (erf)  }
0x104: {  	v20 =	vmul.f32 $1.000000000e+01, v20;
	v28 =	vnsel vm8, $0x0, v29;
	v30 =	vnsel vm9, $0x0, v19;
	v29 =	vpop (erf)  }
0x105: {  	v26 =	vmul.f32 $1.000000000e+01, v26;
	v32 =	vadd.f32 v28, v16;
	v18 =	vadd.f32 v30, v18;
	v19 =	vpop (erf)  }
0x106: {  	v25 =	vmul.f32 $1.000000000e+01, v25;
	v28 =	vnsel vm6, $0x0, v29;
	v19 =	vnsel vm7, $0x0, v19;
	v29 =	vpop (erf)  }
0x107: {  	s19 =	sshra.s32 s18, $0x2;
	v27 =	vmul.f32 $1.000000000e+01, v27;
	v28 =	vadd.f32 v28, v32;
	v19 =	vadd.f32 v19, v18;
	v16 =	vpop (erf)  }
0x108: {  	v31 =	vmovc v15;
	v25 =	vmul.f32 $1.442695020e+00, v25;
	v18 =	vnsel vm4, $0x0, v29;
	v30 =	vld [tilespmem:s19+$0x60];
	v29 =	vnsel vm5, $0x0, v16;
	v16 =	vmovc v17  }
0x109: {  	v15 =	vmul.f32 $1.442695020e+00, v27;
	v18 =	vadd.f32 v18, v28;
	v17 =	vld [tilespmem:s19+$0x70];
	v19 =	vadd.f32 v29, v19  }
0x10a: {  	v20 =	vmul.f32 $1.442695020e+00, v20;
	v27 =	vld [tilespmem:s19+$0x40];
	(erf) = vpow2.f32 v25  }
0x10b: {  	v26 =	vmul.f32 $1.442695020e+00, v26;
	vm4 =	vge.f32 v9, v8;
	v25 =	vld [tilespmem:s19+$0x50];
	(erf) = vpow2.f32 v15  }
0x10c: {  	v22 =	vmul.f32 $1.442695020e+00, v22;
	vm5 =	vge.f32 v10, v8;
	v28 =	vld [tilespmem:s19+$0x20];
	(erf) = vpow2.f32 v20  }
0x10d: {  	vm6 =	vge.f32 v11, v8;
	v20 =	vmul.f32 $1.442695020e+00, v23;
	v29 =	vld [tilespmem:s19+$0x30];
	(erf) = vpow2.f32 v26;
	v9 =	vmovc v30  }
.Ltmp3:
0x10e: {  	vm7 =	vge.f32 v12, v8;
	v23 =	vmul.f32 $1.442695020e+00, v21;
	v15 =	vld [tilespmem:s19+$0x0];
	(erf) = vpow2.f32 v22;
	v10 =	vmovc v17;
	(pc) =	sbr.rel @p0 .LBB2_8-.Ltmp3, $4  }
0x10f: {  	vm8 =	vge.f32 v13, v8;
	v26 =	vmul.f32 $1.442695020e+00, v24;
	v17 =	vld [tilespmem:s19+$0x10];
	(erf) = vpow2.f32 v20;
	v11 =	vmovc v27  }
0x110: {  	vm9 =	vge.f32 v14, v8;
	v21 =	vsub.f32 v9, v7;
	(erf) = vpow2.f32 v23;
	v12 =	vmovc v25  }
0x111: {  	v24 =	vsub.f32 v10, v7;
	v22 =	vsub.f32 v11, v7;
	(erf) = vpow2.f32 v26;
	v13 =	vmovc v28  }
0x112: {  	s18 =	sadd.s32 $0x200, s18;
	vm10 =	vge.f32 v31, v8;
	v23 =	vsub.f32 v12, v7;
	v20 =	vsub.f32 v13, v7;
	v14 =	vmovc v29  }
0x113: {  	v25 =	vsub.f32 v15, v7;
	v21 =	vmul.f32 $1.000000000e+01, v21  }
0x114: {  	v24 =	vmul.f32 $1.000000000e+01, v24;
	v22 =	vmul.f32 $1.000000000e+01, v22;
	v26 =	vsub.f32 v17, v7  }
0x115: {  	v27 =	vsub.f32 v14, v7;
	v23 =	vmul.f32 $1.000000000e+01, v23;
	v25 =	vmul.f32 $1.000000000e+01, v25  }
0x116: {  	v20 =	vmul.f32 $1.000000000e+01, v20;
	v26 =	vmul.f32 $1.000000000e+01, v26  }
0x117: {  	v27 =	vmul.f32 $1.000000000e+01, v27;
	v25 =	vmul.f32 $1.442695020e+00, v25  }
0x118: {  	v22 =	vmul.f32 $1.442695020e+00, v22;
	v26 =	vmul.f32 $1.442695020e+00, v26  }
0x119: {  	vm11 =	vge.f32 v16, v8;
	v63 =	vpop (erf);
	v20 =	vmul.f32 $1.442695020e+00, v20;
	(erf) = vpow2.f32 v25  }
0x11a: {  	v28 =	vpop (erf);
	v16 =	vnsel vm10, $0x0, v63;
	v29 =	vmul.f32 $1.442695020e+00, v27;
	(erf) = vpow2.f32 v26  }
0x11b: {  	v28 =	vnsel vm11, $0x0, v28;
	v30 =	vpop (erf);
	v33 =	vmul.f32 $1.442695020e+00, v21;
	(erf) = vpow2.f32 v20  }
0x11c: {  	v16 =	vadd.f32 v16, v18;
	v31 =	vpop (erf);
	v23 =	vmul.f32 $1.442695020e+00, v23;
	(erf) = vpow2.f32 v29  }
0x11d: {  	v35 =	vmul.f32 $1.442695020e+00, v24;
	v19 =	vadd.f32 v28, v19;
	(erf) = vpow2.f32 v22  }
0x11e: {  	v32 =	vnsel vm9, $0x0, v31;
	v34 =	vpop (erf);
	v25 =	vnsel vm8, $0x0, v30;
	(erf) = vpow2.f32 v23  }
0x11f: {  	v18 =	vadd.f32 v32, v19;
	v36 =	vpop (erf);
	v16 =	vadd.f32 v25, v16;
	(erf) = vpow2.f32 v33  }
0x120: {  	v21 =	vnsel vm6, $0x0, v34;
	v19 =	vnsel vm7, $0x0, v36;
	v37 =	vpop (erf);
	(erf) = vpow2.f32 v35  }
0x121: {  	v38 =	vpop (erf);
	v18 =	vadd.f32 v19, v18;
	v16 =	vadd.f32 v21, v16  }
0x122: {  	v39 =	vnsel vm4, $0x0, v37;
	vm4 =	vge.f32 v15, v8;
	v40 =	vnsel vm5, $0x0, v38;
	v41 =	vpop (erf)  }
0x123: {  	vm5 =	vge.f32 v17, v8;
	v18 =	vadd.f32 v40, v18;
	v16 =	vadd.f32 v39, v16;
	v42 =	vpop (erf)  }
0x124: {  	vm14 =	vge.f32 v13, v8;
	v43 =	vnsel vm4, $0x0, v41;
	v15 =	vnsel vm5, $0x0, v42;
	v44 =	vpop (erf)  }
0x125: {  	vm4 =	vge.f32 v14, v8;
	v13 =	vadd.f32 v43, v16;
	v45 =	vadd.f32 v15, v18;
	v46 =	vpop (erf)  }
0x126: {  	vm5 =	vge.f32 v11, v8;
	v47 =	vnsel vm14, $0x0, v44;
	v15 =	vnsel vm4, $0x0, v46;
	v48 =	vpop (erf)  }
0x127: {  	vm4 =	vge.f32 v12, v8;
	v11 =	vadd.f32 v47, v13;
	v49 =	vadd.f32 v15, v45;
	v50 =	vpop (erf)  }
0x128: {  	vm15 =	vge.f32 v9, v8;
	v51 =	vnsel vm5, $0x0, v48;
	v13 =	vnsel vm4, $0x0, v50;
	v52 =	vpop (erf)  }
0x129: {  	vm4 =	vge.f32 v10, v8;
	v9 =	vadd.f32 v51, v11;
	v53 =	vadd.f32 v13, v49;
	v54 =	vpop (erf)  }
0x12a: {  	v55 =	vnsel vm15, $0x0, v52;
	v11 =	vnsel vm4, $0x0, v54  }
0x12b: {  	v9 =	vadd.f32 v55, v9;
	v10 =	vadd.f32 v11, v53;
	_ =	sdelay $0x1  }
0x12c: {  	v9 =	vadd.f32 v10, v9  }
0x12d: {  	[tilespmem:$0x10110] =	vst v2  }
0x12e: {  	[tilespmem:$0x10100] =	vst v9  }
0x12f: {  	v56 =	vld [tilespmem:$0x10108];
	_ =	sdelay $0x4  }
0x130: {  	v9 =	vadd.f32 v56, v9;
	_ =	sdelay $0x1  }
0x131: {  	[tilespmem:$0x10100] =	vst v9  }
0x132: {  	v57 =	vld [tilespmem:$0x10104];
	_ =	sdelay $0x4  }
0x133: {  	v9 =	vadd.f32 v57, v9;
	_ =	sdelay $0x1  }
0x134: {  	[tilespmem:$0x10100] =	vst v9  }
0x135: {  	v58 =	vld [tilespmem:$0x10102];
	_ =	sdelay $0x4  }
0x136: {  	v9 =	vadd.f32 v58, v9;
	_ =	sdelay $0x1  }
0x137: {  	[tilespmem:$0x10100] =	vst v9  }
0x138: {  	v59 =	vld [tilespmem:$0x10101];
	_ =	sdelay $0x1  }
0x139: {  	v5 =	vmax.f32 v5, v6  }
0x13a: {  	v5 =	vbroadcast v5, $0x0  }
0x13b: {  	(v2sf) =	vpush v9, $0x0  }
0x13c: {  	v6 =	vsub.f32 v5, v7;
	(v2sf) =	vpush v59, $0x0;
	_ =	sdelay $0x1  }
0x13d: {  	v60 =	vsub.f32 v8, v7;
	v6 =	vmul.f32 $1.000000000e+01, v6;
	_ =	sdelay $0x1  }
0x13e: {  	v6 =	vmul.f32 $1.442695020e+00, v6;
	v8 =	vmul.f32 $1.000000000e+01, v60;
	_ =	sdelay $0x1  }
0x13f: {  	(erf) = vpow2.f32 v6;
	v6 =	vmul.f32 $1.442695020e+00, v8;
	_ =	sdelay $0x1  }
0x140: {  	(erf) = vpow2.f32 v6;
	_ =	sdelay $0x5  }
0x141: {  	p0 =	slt.s32 s15, s17;
	s15 =	simm.f32 $0.0e+00;
	s18 =	spop (v2sf)  }
0x142: {  	v61 =	vmov s16;
	s15 =	simm.s32 @!p0 $0x3F800000;
	v6 =	vpop (erf);
	s30 =	spop (v2sf)  }
0x143: {  	v8 =	vsub.f32 $1.638300000e+04, v61;
	v62 =	vmul.f32 s15, v6;
	s31 =	sadd.f32 s30, s18  }
0x144: {  	v63 =	vpop (erf)  }
0x145: {  	v8 =	vmul.f32 v63, v8;
	v9 =	vsub.f32 s31, v62;
	_ =	sdelay $0x1  }
0x146: {  	v8 =	vadd.f32 v9, v8;
	_ =	sdelay $0x1  }
0x147: {  	v6 =	vadd.f32 v8, v6;
	_ =	sdelay $0x1  }
0x148: {  	v6 =	vnsel vm1, $0x0, v6  }
0x149: {  	s14 =	sadd.s32 $0x1, s14;
	v6 =	vsel vm2, v6, v7  }
0x14a: {  	p0 =	sne.s32 s14, s6;
	v5 =	vsel vm3, v6, v5  }
.Ltmp4:
0x14b: {  	[tilespmem:$0x10080] =	vst v5;
	(pc) =	sbr.rel @p0 .LBB2_1-.Ltmp4, $4  }
0x14c: {  	[hbm4b:s5+s3] =	stream.linear.scatter [tilespmem:s13], [sflag:$0x1], $0x80, $0x38;
	[tilespmem:$0x10200] =	vst v63  }
0x14d: {  	_ =	swait.ge [sflag:s8], $0x80  }
0x14e: {  	[sflag:s8] =	ssyncset.done $0x0  }
0x14f: {  	[sflag:s8] =	ssyncadd.s32 $0xFFFFFF80  }
0x150: {  	_ =	sfence.sel $0x180000  }
0x151: {  	[bflag:$0x0] =	sbarrier.arrive $0xFFFF  }
0x152: {  	p0 =	sne.s32 s0, $0x0;
	_ =	strace $0x90000047  }
0x153: {  	s0 =	sadd.s32 @!p0 $0x100000, s1;
	[bflag:$0x2] =	sbarrier.arrive $0xFFFF  }
0x154: {  	[sflag:s0] =	ssyncadd.tile.s32 @!p0 $0x1;
	_ =	shalt  }
.Lfunc_end2:
_tile_overlayer_lowered:
.L_overlay_start_2:
0x155: {  	(tag) =	ssettag $0x2  }
0x156: {  	s0 =	rddreg [dreg:$0x0];
	s2 =	stileid.u32  }
0x157: {  	s1 =	rddreg [dreg:$0x1];
	p0 =	sne.s32 s2, $0x0  }
0x158: {  	s3 =	rddreg [dreg:$0x2];
	[bflag:$0x3] =	sbarrier.arrive $0xFFFF;
	s2 =	simm.s32 @!p0 $0x1C01  }
0x159: {  	[timem:s3], [sflag:s2] =	dma.local @!p0 [hbm:s0], s1  }
0x15a: {  	s0 =	simm.s32 @!p0 $0x1  }
0x15b: {  	_ =	swait.ge @!p0 [sflag:s0], s1  }
0x15c: {  	s1 =	ssub.s32 @!p0 $0x0, s1;
	[sflag:s0] =	ssyncset.done @!p0 $0x0  }
0x15d: {  	[sflag:s0] =	ssyncadd.s32 @!p0 s1  }
0x15e: {  	[bflag:$0x3] =	sbarrier.arrive $0xFFFF  }
0x15f: {  	_ =	shalt  }

</sc_bundles>
